<compile_context>
chip_gen: v7x
topology: tpu7x:2x2x1
jax: 0.10.2.dev20260603
libtpu: 0.0.44.dev20260713+nightly
codegen_flags: <defaults>
</compile_context>

<pallas_src>
import jax
import jax.numpy as jnp
from jax import lax
from jax.experimental import pallas as pl
from jax.experimental.pallas import tpu as pltpu
from jax.experimental.pallas import tpu_sc as plsc

N = 10000
E = 160000
R = 8
H = 8
IN = 256
DH = 32
SLOPE = 0.2

NP = 10240
BN = 512
TW = 272
EP = 163840
SEG = 1024
NSEG = (EP // 16) // SEG
HALF = 5120
NHALF = 5000
TROWS = HALF // 16
CH = 128


def _mm_body(x_ref, wa_ref, wr_ref, t1_ref, t2_ref):
    x = x_ref[...]
    t1_ref[...] = jnp.dot(x, wa_ref[0], preferred_element_type=jnp.float32)
    t2_ref[...] = jnp.dot(x, wr_ref[0], preferred_element_type=jnp.float32)


def _feature_tables(inputs, conv_weights, attn_l, attn_r):
    xp = jnp.zeros((NP, IN), jnp.float32).at[:N].set(inputs)
    wfeat = conv_weights.transpose(0, 2, 1, 3).reshape(R, IN, H * DH)
    wl = jnp.einsum('rhid,rhd->rih', conv_weights, attn_l)
    wr = jnp.einsum('rhid,rhd->rih', conv_weights, attn_r)
    wa = jnp.concatenate([wfeat, wl, jnp.zeros((R, IN, 8), jnp.float32)], axis=-1)
    wb = jnp.concatenate([wr, jnp.zeros((R, IN, 8), jnp.float32)], axis=-1)
    nb = NP // BN
    t1, t2 = pl.pallas_call(
        _mm_body,
        grid=(R, nb),
        in_specs=[
            pl.BlockSpec((BN, IN), lambda r, i: (i, 0)),
            pl.BlockSpec((1, IN, TW), lambda r, i: (r, 0, 0)),
            pl.BlockSpec((1, IN, 16), lambda r, i: (r, 0, 0)),
        ],
        out_specs=[
            pl.BlockSpec((BN, TW), lambda r, i: (r * nb + i, 0)),
            pl.BlockSpec((BN, 16), lambda r, i: (r * nb + i, 0)),
        ],
        out_shape=[
            jax.ShapeDtypeStruct((R * NP, TW), jnp.float32),
            jax.ShapeDtypeStruct((R * NP, 16), jnp.float32),
        ],
    )(xp, wa, wb)
    return t1, t2


def _edge_body(t1, t2, colp, frow, fcol, zrows, out,
               acc, colb, frb, fcb, gb, eb, cb,
               featb, erb, sem1, sem2):
    cid = lax.axis_index("c")
    sid = lax.axis_index("s")
    lo = cid * NHALF
    hi = lo + NHALF

    pltpu.sync_copy(zrows, acc.at[pl.ds(sid * TROWS, TROWS)])
    plsc.subcore_barrier()

    ebase = sid * (EP // 16)
    trash16 = jnp.full((16,), NHALF, jnp.int32)
    zero16 = jnp.zeros((16,), jnp.int32)

    def seg_loop(s, _):
        base = ebase + s * SEG
        pltpu.sync_copy(colp.at[pl.ds(base, SEG)], colb)
        pltpu.sync_copy(frow.at[pl.ds(base, SEG)], frb)
        pltpu.sync_copy(fcol.at[pl.ds(base, SEG)], fcb)

        def fill(i, _):
            r = i >> 3
            q = pl.ds((i & 7) * 16, 16)
            cb.at[r][q] = trash16
            gb.at[r][q] = zero16
            eb.at[r][q] = zero16
            return 0
        lax.fori_loop(0, SEG // 16, fill, 0)

        def comp(i, off):
            c16 = colb[pl.ds(i * 16, 16)]
            m = (c16 >= lo) & (c16 < hi)
            mi = m.astype(jnp.int32)
            pos = off + plsc.cumsum(mi) - 1
            ph = pos >> 7
            pw = pos & (CH - 1)
            plsc.store_scatter(gb, [ph, pw], frb[pl.ds(i * 16, 16)], mask=m)
            plsc.store_scatter(eb, [ph, pw], fcb[pl.ds(i * 16, 16)], mask=m)
            plsc.store_scatter(cb, [ph, pw], c16 - lo, mask=m)
            return off + jnp.sum(mi)
        off = lax.fori_loop(0, SEG // 16, comp, jnp.int32(0))
        nch = (off + CH - 1) // CH

        def chunk(c, _):
            d1 = pltpu.async_copy(t1.at[gb.at[c]], featb, sem1)
            d2 = pltpu.async_copy(t2.at[eb.at[c]], erb, sem2)
            d1.wait()
            d2.wait()

            def ebody(e, _):
                frw = featb.at[e]
                el16 = frw[pl.ds(256, 16)]
                er16 = erb.at[e][pl.ds(0, 16)]
                s16 = el16 + er16
                s16 = jnp.where(s16 >= 0, s16, s16 * SLOPE)
                ee16 = jnp.exp(s16)
                frw[pl.ds(256, 16)] = ee16
                e16 = jnp.full((16,), e, jnp.int32)
                for h in range(H):
                    eh = plsc.load_gather(
                        featb, [e16, jnp.full((16,), 256 + h, jnp.int32)])
                    for k in (2 * h, 2 * h + 1):
                        frw[pl.ds(k * 16, 16)] = frw[pl.ds(k * 16, 16)] * eh
                return 0
            lax.fori_loop(0, CH, ebody, 0)
            pltpu.sync_copy(featb, acc.at[cb.at[c]], add=True)
            return 0
        lax.fori_loop(0, nch, chunk, 0)
        return 0
    lax.fori_loop(0, NSEG, seg_loop, 0)

    plsc.subcore_barrier()
    pltpu.sync_copy(acc.at[pl.ds(sid * TROWS, TROWS)],
                    out.at[cid, pl.ds(sid * TROWS, TROWS)])


def _edge_phase(t1, t2, colp, frow, fcol):
    zrows = jnp.zeros((TROWS, TW), jnp.float32)
    fn = pl.kernel(
        _edge_body,
        out_type=jax.ShapeDtypeStruct((2, HALF, TW), jnp.float32),
        mesh=plsc.VectorSubcoreMesh(core_axis_name="c", subcore_axis_name="s",
                                    num_cores=2, num_subcores=16),
        compiler_params=pltpu.CompilerParams(
            use_tc_tiling_on_sc=False, needs_layout_passes=False),
        scratch_types=[
            pltpu.VMEM_SHARED((HALF, TW), jnp.float32),
            pltpu.VMEM((SEG,), jnp.int32),
            pltpu.VMEM((SEG,), jnp.int32),
            pltpu.VMEM((SEG,), jnp.int32),
            pltpu.VMEM((SEG // CH, CH), jnp.int32),
            pltpu.VMEM((SEG // CH, CH), jnp.int32),
            pltpu.VMEM((SEG // CH, CH), jnp.int32),
            pltpu.VMEM((CH, TW), jnp.float32),
            pltpu.VMEM((CH, 16), jnp.float32),
            pltpu.SemaphoreType.DMA,
            pltpu.SemaphoreType.DMA,
        ],
    )
    return fn(t1, t2, colp, frow, fcol, zrows)


def _norm_body(acc_ref, b_ref, bias_ref, out_ref):
    a = acc_ref[0]
    msg = a[:, :256]
    den = a[:, 256:264]
    r = 1.0 / (den + 1e-16)
    rb = jnp.dot(r, b_ref[...], preferred_element_type=jnp.float32)
    out_ref[0] = msg * rb + bias_ref[...]


def _normalize(acc, h_bias):
    bmat = jnp.repeat(jnp.eye(8, dtype=jnp.float32), DH, axis=1)
    bias = h_bias.reshape(1, 256)
    nb = HALF // 512
    res = pl.pallas_call(
        _norm_body,
        grid=(2, nb),
        in_specs=[
            pl.BlockSpec((1, 512, TW), lambda c, i: (c, i, 0)),
            pl.BlockSpec((8, 256), lambda c, i: (0, 0)),
            pl.BlockSpec((1, 256), lambda c, i: (0, 0)),
        ],
        out_specs=pl.BlockSpec((1, 512, 256), lambda c, i: (c, i, 0)),
        out_shape=jax.ShapeDtypeStruct((2, HALF, 256), jnp.float32),
    )(acc, bmat, bias)
    return jnp.concatenate([res[0, :NHALF], res[1, :NHALF]], axis=0)


def kernel(inputs, row_indices, col_indices, edge_rel_sorted, conv_weights, attn_l, attn_r, h_bias):
    t1, t2 = _feature_tables(inputs, conv_weights, attn_l, attn_r)
    colp = jnp.full((EP,), -1, jnp.int32).at[:E].set(col_indices)
    frow = jnp.zeros((EP,), jnp.int32).at[:E].set(edge_rel_sorted * NP + row_indices)
    fcol = jnp.zeros((EP,), jnp.int32).at[:E].set(edge_rel_sorted * NP + col_indices)
    acc = _edge_phase(t1, t2, colp, frow, fcol)
    return _normalize(acc, h_bias)

# --- scband reference (transcript-rebuilt; emitter-appended) ---
"""Pipeline reference for scband-het-relational-att-layer-25056839205669 (READ-ONLY COPY).

The authoritative reference and input builder live on the scoring server;
editing this copy changes nothing except your own understanding.
"""

import jax, jax.numpy as jnp
import numpy as np

N = 10000
E = 160000
R = 8
H = 8
IN = 256
OUT = 256
DH = OUT // H
SLOPE = 0.2


def setup_inputs(seed: int = 0) -> dict:
    key = jax.random.key(seed)
    k1, k2, k3, k4, k5, k6, k7 = jax.random.split(key, 7)
    inputs = jax.random.normal(k1, (N, IN), dtype=jnp.float32)
    row_indices = jax.random.randint(k2, (E,), 0, N, dtype=jnp.int32)
    col_indices = jax.random.randint(k3, (E,), 0, N, dtype=jnp.int32)
    edge_rel_sorted = jnp.sort(jax.random.randint(k4, (E,), 0, R, dtype=jnp.int32))
    # learned parameters sized per init_kwargs
    conv_weights = jax.random.normal(k5, (R, H, IN, DH), dtype=jnp.float32) * (1.0 / np.sqrt(IN))
    attn_l = jax.random.normal(k6, (R, H, DH), dtype=jnp.float32) * 0.1
    attn_r = jax.random.normal(k7, (R, H, DH), dtype=jnp.float32) * 0.1
    h_bias = jnp.zeros((OUT,), dtype=jnp.float32)
    return {
        'inputs': inputs,
        'row_indices': row_indices,
        'col_indices': col_indices,
        'edge_rel_sorted': edge_rel_sorted,
        'conv_weights': conv_weights,
        'attn_l': attn_l,
        'attn_r': attn_r,
        'h_bias': h_bias,
    }


def reference(inputs, row_indices, col_indices, edge_rel_sorted, conv_weights, attn_l, attn_r, h_bias):
    # Relation-typed linear transform of node features: feat_all[r, n, h, d]
    # equivalent to B.rgnn_relational_matmul gathering x[src] @ W[rel] per edge.
    feat_all = jnp.einsum('ni,rhid->rnhd', inputs, conv_weights)
    feat_src = feat_all[edge_rel_sorted, row_indices]  # [E, H, DH]
    feat_dst = feat_all[edge_rel_sorted, col_indices]  # [E, H, DH]
    # per-edge attention logits el/er per relation, per head
    el = jnp.sum(feat_src * attn_l[edge_rel_sorted], axis=-1)  # [E, H]
    er = jnp.sum(feat_dst * attn_r[edge_rel_sorted], axis=-1)  # [E, H]
    e = jax.nn.leaky_relu(el + er, negative_slope=SLOPE)
    # edge-parallel fused GAT: segment softmax over incoming edges per dst node
    emax = jax.ops.segment_max(e, col_indices, num_segments=N)
    emax = jnp.where(jnp.isfinite(emax), emax, 0.0)
    ee = jnp.exp(e - emax[col_indices])
    denom = jax.ops.segment_sum(ee, col_indices, num_segments=N)
    alpha = ee / (denom[col_indices] + 1e-16)  # [E, H]
    msg = feat_src * alpha[..., None]  # [E, H, DH]
    out = jax.ops.segment_sum(msg, col_indices, num_segments=N)  # [N, H, DH]
    out = out.reshape(N, OUT) + h_bias
    # activation=None, dropout=0.0 (eval), self_loop=False
    return out

if __name__ == "__main__":
    import jax
    _d = setup_inputs()
    print(jax.jit(kernel)(*tuple(_d.values())))

</pallas_src>

<mosaic_0001>
#map = affine_map<(d0, d1) -> (0, 0)>
#map1 = affine_map<(d0, d1) -> (0)>
#map2 = affine_map<(d0, d1) -> (0, 0, 0)>
module attributes {stable_mosaic.version = 14 : i64} {
  func.func @_edge_body(%arg0: i32, %arg1: i32, %arg2: memref<81920x272xf32, #tpu.memory_space<hbm>>, %arg3: memref<81920x16xf32, #tpu.memory_space<hbm>>, %arg4: memref<163840xi32, #tpu.memory_space<hbm>>, %arg5: memref<163840xi32, #tpu.memory_space<hbm>>, %arg6: memref<163840xi32, #tpu.memory_space<hbm>>, %arg7: memref<320x272xf32, #tpu.memory_space<hbm>>, %arg8: memref<2x5120x272xf32, #tpu.memory_space<hbm>>, %arg9: memref<5120x272xf32, #tpu.memory_space<vmem_shared>>, %arg10: memref<1024xi32, #tpu.memory_space<vmem>>, %arg11: memref<1024xi32, #tpu.memory_space<vmem>>, %arg12: memref<1024xi32, #tpu.memory_space<vmem>>, %arg13: memref<8x128xi32, #tpu.memory_space<vmem>>, %arg14: memref<8x128xi32, #tpu.memory_space<vmem>>, %arg15: memref<8x128xi32, #tpu.memory_space<vmem>>, %arg16: memref<128x272xf32, #tpu.memory_space<vmem>>, %arg17: memref<128x16xf32, #tpu.memory_space<vmem>>, %arg18: memref<!tpu.dma_semaphore, #tpu.memory_space<semaphore_mem>>, %arg19: memref<!tpu.dma_semaphore, #tpu.memory_space<semaphore_mem>>) attributes {dimension_semantics = [#tpu.dimension_semantics<core_parallel>, #tpu.dimension_semantics<subcore_parallel>], iteration_bounds = array<i64: 2, 16>, scalar_prefetch = 0 : i64, scratch_operands = 11 : i64, tpu.core_type = #tpu.core_type<sc_vector_subcore>, window_params = [{transform_indices = #map}, {transform_indices = #map}, {transform_indices = #map1}, {transform_indices = #map1}, {transform_indices = #map1}, {transform_indices = #map}, {transform_indices = #map2}]} {
    %mul3A = arith.constant 5000 : i32
    %mul3A_0 = arith.muli %arg0, %mul3A : i32
    %add3A = arith.constant 5000 : i32
    %add3A_1 = arith.addi %mul3A_0, %add3A : i32
    %mul3A_2 = arith.constant 320 : i32
    %mul3A_3 = arith.muli %arg1, %mul3A_2 : i32
    "tpu.region"() ({
      %run_scoped3A = tpu.sem_alloc : memref<!tpu.dma_semaphore, #tpu.memory_space<semaphore_mem>>
      %dma_start3A = arith.constant 0 : i32
      %dma_start3A_20 = tpu.memref_slice %arg9[%mul3A_3, %dma_start3A] : memref<5120x272xf32, #tpu.memory_space<vmem_shared>> -> memref<320x272xf32, #tpu.memory_space<vmem_shared>>
      tpu.enqueue_dma source(%arg7 : memref<320x272xf32, #tpu.memory_space<hbm>>) target(%dma_start3A_20 : memref<320x272xf32, #tpu.memory_space<vmem_shared>>) target_semaphore(%run_scoped3A : memref<!tpu.dma_semaphore, #tpu.memory_space<semaphore_mem>>)
      %dma_wait3A = arith.constant 0 : i32
      %dma_wait3A_21 = tpu.memref_slice %arg9[%mul3A_3, %dma_wait3A] : memref<5120x272xf32, #tpu.memory_space<vmem_shared>> -> memref<320x272xf32, #tpu.memory_space<vmem_shared>>
      tpu.wait_dma2 semaphore(%run_scoped3A : memref<!tpu.dma_semaphore, #tpu.memory_space<semaphore_mem>>) src(%arg7 : memref<320x272xf32, #tpu.memory_space<hbm>>) dst(%dma_wait3A_21 : memref<320x272xf32, #tpu.memory_space<vmem_shared>>)
      tpu.yield
    }) : () -> ()
    %barrier3A = arith.constant 0 : index
    tpu.barrier barrier_id(%barrier3A)
    %mul3A_4 = arith.constant 10240 : i32
    %mul3A_5 = arith.muli %arg1, %mul3A_4 : i32
    %broadcast_in_dim3A = arith.constant 5000 : i32
    %broadcast_in_dim3A_6 = vector.broadcast %broadcast_in_dim3A : i32 to vector<16xi32>
    %broadcast_in_dim3A_7 = arith.constant 0 : i32
    %broadcast_in_dim3A_8 = vector.broadcast %broadcast_in_dim3A_7 : i32 to vector<16xi32>
    %scan3A = arith.constant 0 : i32
    %scan3A_9 = arith.constant 0 : i32
    %scan3A_10 = arith.constant 10 : i32
    %scan3A_11 = arith.addi %scan3A_9, %scan3A_10 : i32
    %scan3A_12 = arith.constant 1 : i32
    %scan3A_13 = scf.for %scan3A_20 = %scan3A_9 to %scan3A_11 step %scan3A_12 iter_args(%scan3A_21 = %scan3A) -> (i32)  : i32 {
      %mul3A_22 = arith.constant 1024 : i32
      %mul3A_23 = arith.muli %scan3A_20, %mul3A_22 : i32
      %add3A_24 = arith.addi %mul3A_5, %mul3A_23 : i32
      "tpu.region"() ({
        %run_scoped3A = tpu.sem_alloc : memref<!tpu.dma_semaphore, #tpu.memory_space<semaphore_mem>>
        %dma_start3A = tpu.memref_slice %arg4[%add3A_24] : memref<163840xi32, #tpu.memory_space<hbm>> -> memref<1024xi32, #tpu.memory_space<hbm>>
        %dma_start3A_71 = tpu.memref_slice %arg4[%add3A_24] : memref<163840xi32, #tpu.memory_space<hbm>> -> memref<1024xi32, #tpu.memory_space<hbm>>
        tpu.enqueue_dma source(%dma_start3A_71 : memref<1024xi32, #tpu.memory_space<hbm>>) target(%arg10 : memref<1024xi32, #tpu.memory_space<vmem>>) target_semaphore(%run_scoped3A : memref<!tpu.dma_semaphore, #tpu.memory_space<semaphore_mem>>)
        %dma_wait3A = tpu.memref_slice %arg4[%add3A_24] : memref<163840xi32, #tpu.memory_space<hbm>> -> memref<1024xi32, #tpu.memory_space<hbm>>
        %dma_wait3A_72 = tpu.memref_slice %arg4[%add3A_24] : memref<163840xi32, #tpu.memory_space<hbm>> -> memref<1024xi32, #tpu.memory_space<hbm>>
        tpu.wait_dma2 semaphore(%run_scoped3A : memref<!tpu.dma_semaphore, #tpu.memory_space<semaphore_mem>>) src(%dma_wait3A_72 : memref<1024xi32, #tpu.memory_space<hbm>>) dst(%arg10 : memref<1024xi32, #tpu.memory_space<vmem>>)
        tpu.yield
      }) : () -> ()
      "tpu.region"() ({
        %run_scoped3A = tpu.sem_alloc : memref<!tpu.dma_semaphore, #tpu.memory_space<semaphore_mem>>
        %dma_start3A = tpu.memref_slice %arg5[%add3A_24] : memref<163840xi32, #tpu.memory_space<hbm>> -> memref<1024xi32, #tpu.memory_space<hbm>>
        %dma_start3A_71 = tpu.memref_slice %arg5[%add3A_24] : memref<163840xi32, #tpu.memory_space<hbm>> -> memref<1024xi32, #tpu.memory_space<hbm>>
        tpu.enqueue_dma source(%dma_start3A_71 : memref<1024xi32, #tpu.memory_space<hbm>>) target(%arg11 : memref<1024xi32, #tpu.memory_space<vmem>>) target_semaphore(%run_scoped3A : memref<!tpu.dma_semaphore, #tpu.memory_space<semaphore_mem>>)
        %dma_wait3A = tpu.memref_slice %arg5[%add3A_24] : memref<163840xi32, #tpu.memory_space<hbm>> -> memref<1024xi32, #tpu.memory_space<hbm>>
        %dma_wait3A_72 = tpu.memref_slice %arg5[%add3A_24] : memref<163840xi32, #tpu.memory_space<hbm>> -> memref<1024xi32, #tpu.memory_space<hbm>>
        tpu.wait_dma2 semaphore(%run_scoped3A : memref<!tpu.dma_semaphore, #tpu.memory_space<semaphore_mem>>) src(%dma_wait3A_72 : memref<1024xi32, #tpu.memory_space<hbm>>) dst(%arg11 : memref<1024xi32, #tpu.memory_space<vmem>>)
        tpu.yield
      }) : () -> ()
      "tpu.region"() ({
        %run_scoped3A = tpu.sem_alloc : memref<!tpu.dma_semaphore, #tpu.memory_space<semaphore_mem>>
        %dma_start3A = tpu.memref_slice %arg6[%add3A_24] : memref<163840xi32, #tpu.memory_space<hbm>> -> memref<1024xi32, #tpu.memory_space<hbm>>
        %dma_start3A_71 = tpu.memref_slice %arg6[%add3A_24] : memref<163840xi32, #tpu.memory_space<hbm>> -> memref<1024xi32, #tpu.memory_space<hbm>>
        tpu.enqueue_dma source(%dma_start3A_71 : memref<1024xi32, #tpu.memory_space<hbm>>) target(%arg12 : memref<1024xi32, #tpu.memory_space<vmem>>) target_semaphore(%run_scoped3A : memref<!tpu.dma_semaphore, #tpu.memory_space<semaphore_mem>>)
        %dma_wait3A = tpu.memref_slice %arg6[%add3A_24] : memref<163840xi32, #tpu.memory_space<hbm>> -> memref<1024xi32, #tpu.memory_space<hbm>>
        %dma_wait3A_72 = tpu.memref_slice %arg6[%add3A_24] : memref<163840xi32, #tpu.memory_space<hbm>> -> memref<1024xi32, #tpu.memory_space<hbm>>
        tpu.wait_dma2 semaphore(%run_scoped3A : memref<!tpu.dma_semaphore, #tpu.memory_space<semaphore_mem>>) src(%dma_wait3A_72 : memref<1024xi32, #tpu.memory_space<hbm>>) dst(%arg12 : memref<1024xi32, #tpu.memory_space<vmem>>)
        tpu.yield
      }) : () -> ()
      %scan3A_25 = arith.constant 0 : i32
      %scan3A_26 = arith.constant 0 : i32
      %scan3A_27 = arith.constant 64 : i32
      %scan3A_28 = arith.addi %scan3A_26, %scan3A_27 : i32
      %scan3A_29 = arith.constant 1 : i32
      %scan3A_30 = scf.for %scan3A_71 = %scan3A_26 to %scan3A_28 step %scan3A_29 iter_args(%scan3A_72 = %scan3A_25) -> (i32)  : i32 {
        %shift_right_arithmetic3A = arith.constant 3 : i32
        %shift_right_arithmetic3A_73 = arith.shrsi %scan3A_71, %shift_right_arithmetic3A : i32
        %and3A_74 = arith.constant 7 : i32
        %and3A_75 = arith.andi %scan3A_71, %and3A_74 : i32
        %mul3A_76 = arith.constant 16 : i32
        %mul3A_77 = arith.muli %and3A_75, %mul3A_76 : i32
        %swap3A = arith.constant 0 : i32
        %swap3A_78 = tpu.memref_slice %arg15[%shift_right_arithmetic3A_73, %swap3A] : memref<8x128xi32, #tpu.memory_space<vmem>> -> memref<1x128xi32, #tpu.memory_space<vmem>>
        %swap3A_79 = tpu.memref_squeeze %swap3A_78 : memref<1x128xi32, #tpu.memory_space<vmem>> -> memref<128xi32, #tpu.memory_space<vmem>>
        %swap3A_80 = arith.index_cast %mul3A_77 : i32 to index
        %swap3A_81 = tpu.vector_load %swap3A_79[%swap3A_80] {strides = array<i32>} : memref<128xi32, #tpu.memory_space<vmem>>, vector<16xi32>,
        tpu.vector_store %swap3A_79[%swap3A_80], %broadcast_in_dim3A_6 {strides = array<i32>} : memref<128xi32, #tpu.memory_space<vmem>>, vector<16xi32>,
        %swap3A_82 = arith.constant 0 : i32
        %swap3A_83 = tpu.memref_slice %arg13[%shift_right_arithmetic3A_73, %swap3A_82] : memref<8x128xi32, #tpu.memory_space<vmem>> -> memref<1x128xi32, #tpu.memory_space<vmem>>
        %swap3A_84 = tpu.memref_squeeze %swap3A_83 : memref<1x128xi32, #tpu.memory_space<vmem>> -> memref<128xi32, #tpu.memory_space<vmem>>
        %swap3A_85 = arith.index_cast %mul3A_77 : i32 to index
        %swap3A_86 = tpu.vector_load %swap3A_84[%swap3A_85] {strides = array<i32>} : memref<128xi32, #tpu.memory_space<vmem>>, vector<16xi32>,
        tpu.vector_store %swap3A_84[%swap3A_85], %broadcast_in_dim3A_8 {strides = array<i32>} : memref<128xi32, #tpu.memory_space<vmem>>, vector<16xi32>,
        %swap3A_87 = arith.constant 0 : i32
        %swap3A_88 = tpu.memref_slice %arg14[%shift_right_arithmetic3A_73, %swap3A_87] : memref<8x128xi32, #tpu.memory_space<vmem>> -> memref<1x128xi32, #tpu.memory_space<vmem>>
        %swap3A_89 = tpu.memref_squeeze %swap3A_88 : memref<1x128xi32, #tpu.memory_space<vmem>> -> memref<128xi32, #tpu.memory_space<vmem>>
        %swap3A_90 = arith.index_cast %mul3A_77 : i32 to index
        %swap3A_91 = tpu.vector_load %swap3A_89[%swap3A_90] {strides = array<i32>} : memref<128xi32, #tpu.memory_space<vmem>>, vector<16xi32>,
        tpu.vector_store %swap3A_89[%swap3A_90], %broadcast_in_dim3A_8 {strides = array<i32>} : memref<128xi32, #tpu.memory_space<vmem>>, vector<16xi32>,
        %scan3A_92 = arith.constant 0 : i32
        scf.yield %scan3A_92 : i32
      }
      %scan3A_31 = arith.constant 64 : i32
      %scan3A_32 = arith.constant 0 : i32
      %scan3A_33 = arith.constant 0 : i32
      %scan3A_34 = arith.constant 64 : i32
      %scan3A_35 = arith.addi %scan3A_33, %scan3A_34 : i32
      %scan3A_36 = arith.constant 1 : i32
      %scan3A_37 = scf.for %scan3A_71 = %scan3A_33 to %scan3A_35 step %scan3A_36 iter_args(%scan3A_72 = %scan3A_32) -> (i32)  : i32 {
        %mul3A_73 = arith.constant 16 : i32
        %mul3A_74 = arith.muli %scan3A_71, %mul3A_73 : i32
        %get3A = arith.index_cast %mul3A_74 : i32 to index
        %get3A_75 = tpu.vector_load %arg10[%get3A] {strides = array<i32>} : memref<1024xi32, #tpu.memory_space<vmem>>, vector<16xi32>,
        %ge3A = vector.broadcast %mul3A_0 : i32 to vector<16xi32>
        %ge3A_76 = arith.cmpi sge, %get3A_75, %ge3A : vector<16xi32>
        %lt3A = vector.broadcast %add3A_1 : i32 to vector<16xi32>
        %lt3A_77 = arith.cmpi slt, %get3A_75, %lt3A : vector<16xi32>
        %and3A_78 = arith.andi %ge3A_76, %lt3A_77 : vector<16xi1>
        %convert_element_type3A = arith.extui %and3A_78 : vector<16xi1> to vector<16xi32>
        %broadcast_in_dim3A_79 = arith.constant true
        %broadcast_in_dim3A_80 = vector.broadcast %broadcast_in_dim3A_79 : i1 to vector<16xi1>
        %masked_cumsum3A = tpu.scan <sum>, %convert_element_type3A masked %broadcast_in_dim3A_80 : vector<16xi32>, vector<16xi1> -> vector<16xi32>
        %add3A_81 = vector.broadcast %scan3A_72 : i32 to vector<16xi32>
        %add3A_82 = arith.addi %add3A_81, %masked_cumsum3A : vector<16xi32>
        %sub3A_83 = arith.constant 1 : i32
        %sub3A_84 = vector.broadcast %sub3A_83 : i32 to vector<16xi32>
        %sub3A_85 = arith.subi %add3A_82, %sub3A_84 : vector<16xi32>
        %shift_right_arithmetic3A = arith.constant 7 : i32
        %shift_right_arithmetic3A_86 = vector.broadcast %shift_right_arithmetic3A : i32 to vector<16xi32>
        %shift_right_arithmetic3A_87 = arith.shrsi %sub3A_85, %shift_right_arithmetic3A_86 : vector<16xi32>
        %and3A_88 = arith.constant 127 : i32
        %and3A_89 = vector.broadcast %and3A_88 : i32 to vector<16xi32>
        %and3A_90 = arith.andi %sub3A_85, %and3A_89 : vector<16xi32>
        %mul3A_91 = arith.constant 16 : i32
        %mul3A_92 = arith.muli %scan3A_71, %mul3A_91 : i32
        %get3A_93 = arith.index_cast %mul3A_92 : i32 to index
        %get3A_94 = tpu.vector_load %arg11[%get3A_93] {strides = array<i32>} : memref<1024xi32, #tpu.memory_space<vmem>>, vector<16xi32>,
        tpu.vector_store_idx %arg13[%shift_right_arithmetic3A_87, %and3A_90], %get3A_94 masked %and3A_78 : memref<8x128xi32, #tpu.memory_space<vmem>>[vector<16xi32>, vector<16xi32>], vector<16xi32>, vector<16xi1>
        %mul3A_95 = arith.constant 16 : i32
        %mul3A_96 = arith.muli %scan3A_71, %mul3A_95 : i32
        %get3A_97 = arith.index_cast %mul3A_96 : i32 to index
        %get3A_98 = tpu.vector_load %arg12[%get3A_97] {strides = array<i32>} : memref<1024xi32, #tpu.memory_space<vmem>>, vector<16xi32>,
        tpu.vector_store_idx %arg14[%shift_right_arithmetic3A_87, %and3A_90], %get3A_98 masked %and3A_78 : memref<8x128xi32, #tpu.memory_space<vmem>>[vector<16xi32>, vector<16xi32>], vector<16xi32>, vector<16xi1>
        %sub3A_99 = vector.broadcast %mul3A_0 : i32 to vector<16xi32>
        %sub3A_100 = arith.subi %get3A_75, %sub3A_99 : vector<16xi32>
        tpu.vector_store_idx %arg15[%shift_right_arithmetic3A_87, %and3A_90], %sub3A_100 masked %and3A_78 : memref<8x128xi32, #tpu.memory_space<vmem>>[vector<16xi32>, vector<16xi32>], vector<16xi32>, vector<16xi1>
        %reduce_sum3A = arith.constant true
        %reduce_sum3A_101 = vector.broadcast %reduce_sum3A : i1 to vector<16xi1>
        %reduce_sum3A_102 = tpu.scan <sum>, %convert_element_type3A masked %reduce_sum3A_101 : vector<16xi32>, vector<16xi1> -> vector<16xi32>
        %reduce_sum3A_103 = vector.extract %reduce_sum3A_102[15] : i32 from vector<16xi32>
        %add3A_104 = arith.addi %scan3A_72, %reduce_sum3A_103 : i32
        scf.yield %add3A_104 : i32
      }
      %scan3A_38 = arith.constant 64 : i32
      %add3A_39 = arith.constant 128 : i32
      %add3A_40 = arith.addi %scan3A_37, %add3A_39 : i32
      %sub3A = arith.constant 1 : i32
      %sub3A_41 = arith.subi %add3A_40, %sub3A : i32
      %jit3A = arith.constant 128 : i32
      %div3A = arith.divsi %sub3A_41, %jit3A : i32
      %sign3A = arith.constant 0 : i32
      %sign3A_42 = arith.cmpi sgt, %sub3A_41, %sign3A : i32
      %sign3A_43 = arith.extui %sign3A_42 : i1 to i32
      %sign3A_44 = arith.constant 0 : i32
      %sign3A_45 = arith.cmpi slt, %sub3A_41, %sign3A_44 : i32
      %sign3A_46 = arith.extui %sign3A_45 : i1 to i32
      %sign3A_47 = arith.subi %sign3A_43, %sign3A_46 : i32
      %sign3A_48 = arith.constant 0 : i32
      %sign3A_49 = arith.cmpi sgt, %jit3A, %sign3A_48 : i32
      %sign3A_50 = arith.extui %sign3A_49 : i1 to i32
      %sign3A_51 = arith.constant 0 : i32
      %sign3A_52 = arith.cmpi slt, %jit3A, %sign3A_51 : i32
      %sign3A_53 = arith.extui %sign3A_52 : i1 to i32
      %sign3A_54 = arith.subi %sign3A_50, %sign3A_53 : i32
      %ne3A = arith.cmpi ne, %sign3A_47, %sign3A_54 : i32
      %rem3A = arith.remsi %sub3A_41, %jit3A : i32
      %ne3A_55 = arith.constant 0 : i32
      %ne3A_56 = arith.cmpi ne, %rem3A, %ne3A_55 : i32
      %and3A = arith.andi %ne3A, %ne3A_56 : i1
      %sub3A_57 = arith.constant 1 : i32
      %sub3A_58 = arith.subi %div3A, %sub3A_57 : i32
      %select_n3A = arith.select %and3A, %sub3A_58, %div3A : i32
      %while3A = arith.constant 0 : i32
      %while3A_59 = arith.constant 0 : i32
      %while3A_60 = arith.subi %select_n3A, %while3A : i32
      %while3A_61 = arith.addi %while3A, %while3A_60 : i32
      %while3A_62 = arith.constant 1 : i32
      %while3A_63 = arith.divsi %while3A_60, %while3A_62 : i32
      %while3A_64 = arith.muli %while3A_63, %while3A_62 : i32
      %while3A_65 = arith.addi %while3A, %while3A_64 : i32
      %while3A_66 = arith.constant 1 : i32
      %while3A_67 = scf.for %while3A_71 = %while3A to %while3A_65 step %while3A_66 iter_args(%while3A_72 = %while3A_59) -> (i32)  : i32 {
        %dma_start3A = arith.constant 0 : i32
        %dma_start3A_73 = tpu.memref_slice %arg13[%while3A_71, %dma_start3A] : memref<8x128xi32, #tpu.memory_space<vmem>> -> memref<1x128xi32, #tpu.memory_space<vmem>>
        %dma_start3A_74 = tpu.memref_squeeze %dma_start3A_73 : memref<1x128xi32, #tpu.memory_space<vmem>> -> memref<128xi32, #tpu.memory_space<vmem>>
        %dma_start3A_75 = arith.constant 0 : i32
        %dma_start3A_76 = arith.constant 0 : i32
        %dma_start3A_77 = tpu.memref_slice %arg2[%dma_start3A_75, %dma_start3A_76] : memref<81920x272xf32, #tpu.memory_space<hbm>> -> memref<81920x272xf32, #tpu.memory_space<hbm>>
        tpu.enqueue_indirect_dma source(%dma_start3A_77 : memref<81920x272xf32, #tpu.memory_space<hbm>>) target(%arg16 : memref<128x272xf32, #tpu.memory_space<vmem>>) offsets(%dma_start3A_74 : memref<128xi32, #tpu.memory_space<vmem>>) semaphore(%arg18 : memref<!tpu.dma_semaphore, #tpu.memory_space<semaphore_mem>>)
        %dma_start3A_78 = arith.constant 0 : i32
        %dma_start3A_79 = tpu.memref_slice %arg14[%while3A_71, %dma_start3A_78] : memref<8x128xi32, #tpu.memory_space<vmem>> -> memref<1x128xi32, #tpu.memory_space<vmem>>
        %dma_start3A_80 = tpu.memref_squeeze %dma_start3A_79 : memref<1x128xi32, #tpu.memory_space<vmem>> -> memref<128xi32, #tpu.memory_space<vmem>>
        %dma_start3A_81 = arith.constant 0 : i32
        %dma_start3A_82 = arith.constant 0 : i32
        %dma_start3A_83 = tpu.memref_slice %arg3[%dma_start3A_81, %dma_start3A_82] : memref<81920x16xf32, #tpu.memory_space<hbm>> -> memref<81920x16xf32, #tpu.memory_space<hbm>>
        tpu.enqueue_indirect_dma source(%dma_start3A_83 : memref<81920x16xf32, #tpu.memory_space<hbm>>) target(%arg17 : memref<128x16xf32, #tpu.memory_space<vmem>>) offsets(%dma_start3A_80 : memref<128xi32, #tpu.memory_space<vmem>>) semaphore(%arg19 : memref<!tpu.dma_semaphore, #tpu.memory_space<semaphore_mem>>)
        %dma_wait3A = arith.constant 0 : i32
        %dma_wait3A_84 = tpu.memref_slice %arg13[%while3A_71, %dma_wait3A] : memref<8x128xi32, #tpu.memory_space<vmem>> -> memref<1x128xi32, #tpu.memory_space<vmem>>
        %dma_wait3A_85 = tpu.memref_squeeze %dma_wait3A_84 : memref<1x128xi32, #tpu.memory_space<vmem>> -> memref<128xi32, #tpu.memory_space<vmem>>
        %dma_wait3A_86 = arith.constant 0 : i32
        %dma_wait3A_87 = arith.constant 0 : i32
        %dma_wait3A_88 = tpu.memref_slice %arg2[%dma_wait3A_86, %dma_wait3A_87] : memref<81920x272xf32, #tpu.memory_space<hbm>> -> memref<81920x272xf32, #tpu.memory_space<hbm>>
        tpu.wait_indirect_dma semaphore(%arg18 : memref<!tpu.dma_semaphore, #tpu.memory_space<semaphore_mem>>) src(%dma_wait3A_88 : memref<81920x272xf32, #tpu.memory_space<hbm>>) dst(%arg16 : memref<128x272xf32, #tpu.memory_space<vmem>>)
        %dma_wait3A_89 = arith.constant 0 : i32
        %dma_wait3A_90 = tpu.memref_slice %arg14[%while3A_71, %dma_wait3A_89] : memref<8x128xi32, #tpu.memory_space<vmem>> -> memref<1x128xi32, #tpu.memory_space<vmem>>
        %dma_wait3A_91 = tpu.memref_squeeze %dma_wait3A_90 : memref<1x128xi32, #tpu.memory_space<vmem>> -> memref<128xi32, #tpu.memory_space<vmem>>
        %dma_wait3A_92 = arith.constant 0 : i32
        %dma_wait3A_93 = arith.constant 0 : i32
        %dma_wait3A_94 = tpu.memref_slice %arg3[%dma_wait3A_92, %dma_wait3A_93] : memref<81920x16xf32, #tpu.memory_space<hbm>> -> memref<81920x16xf32, #tpu.memory_space<hbm>>
        tpu.wait_indirect_dma semaphore(%arg19 : memref<!tpu.dma_semaphore, #tpu.memory_space<semaphore_mem>>) src(%dma_wait3A_94 : memref<81920x16xf32, #tpu.memory_space<hbm>>) dst(%arg17 : memref<128x16xf32, #tpu.memory_space<vmem>>)
        %scan3A_95 = arith.constant 0 : i32
        %scan3A_96 = arith.constant 0 : i32
        %scan3A_97 = arith.constant 128 : i32
        %scan3A_98 = arith.addi %scan3A_96, %scan3A_97 : i32
        %scan3A_99 = arith.constant 1 : i32
        %scan3A_100 = scf.for %scan3A_103 = %scan3A_96 to %scan3A_98 step %scan3A_99 iter_args(%scan3A_104 = %scan3A_95) -> (i32)  : i32 {
          %get3A = arith.constant 0 : i32
          %get3A_105 = tpu.memref_slice %arg16[%scan3A_103, %get3A] : memref<128x272xf32, #tpu.memory_space<vmem>> -> memref<1x272xf32, #tpu.memory_space<vmem>>
          %get3A_106 = tpu.memref_squeeze %get3A_105 : memref<1x272xf32, #tpu.memory_space<vmem>> -> memref<272xf32, #tpu.memory_space<vmem>>
          %get3A_107 = arith.constant 256 : index
          %get3A_108 = tpu.vector_load %get3A_106[%get3A_107] {strides = array<i32>} : memref<272xf32, #tpu.memory_space<vmem>>, vector<16xf32>,
          %get3A_109 = arith.constant 0 : i32
          %get3A_110 = tpu.memref_slice %arg17[%scan3A_103, %get3A_109] : memref<128x16xf32, #tpu.memory_space<vmem>> -> memref<1x16xf32, #tpu.memory_space<vmem>>
          %get3A_111 = tpu.memref_squeeze %get3A_110 : memref<1x16xf32, #tpu.memory_space<vmem>> -> memref<16xf32, #tpu.memory_space<vmem>>
          %get3A_112 = arith.constant 0 : index
          %get3A_113 = tpu.vector_load %get3A_111[%get3A_112] {strides = array<i32>} : memref<16xf32, #tpu.memory_space<vmem>>, vector<16xf32>,
          %add3A_114 = arith.addf %get3A_108, %get3A_113 : vector<16xf32>
          %ge3A = arith.constant 0.000000e+00 : f32
          %ge3A_115 = vector.broadcast %ge3A : f32 to vector<16xf32>
          %ge3A_116 = arith.cmpf oge, %add3A_114, %ge3A_115 : vector<16xf32>
          %mul3A_117 = arith.constant 2.000000e-01 : f32
          %mul3A_118 = vector.broadcast %mul3A_117 : f32 to vector<16xf32>
          %mul3A_119 = arith.mulf %add3A_114, %mul3A_118 : vector<16xf32>
          %select_n3A_120 = arith.select %ge3A_116, %add3A_114, %mul3A_119 : vector<16xi1>, vector<16xf32>
          %exp3A = math.exp %select_n3A_120 : vector<16xf32>
          %swap3A = arith.constant 0 : i32
          %swap3A_121 = tpu.memref_slice %arg16[%scan3A_103, %swap3A] : memref<128x272xf32, #tpu.memory_space<vmem>> -> memref<1x272xf32, #tpu.memory_space<vmem>>
          %swap3A_122 = tpu.memref_squeeze %swap3A_121 : memref<1x272xf32, #tpu.memory_space<vmem>> -> memref<272xf32, #tpu.memory_space<vmem>>
          %swap3A_123 = arith.constant 256 : index
          %swap3A_124 = tpu.vector_load %swap3A_122[%swap3A_123] {strides = array<i32>} : memref<272xf32, #tpu.memory_space<vmem>>, vector<16xf32>,
          tpu.vector_store %swap3A_122[%swap3A_123], %exp3A {strides = array<i32>} : memref<272xf32, #tpu.memory_space<vmem>>, vector<16xf32>,
          %broadcast_in_dim3A_125 = vector.broadcast %scan3A_103 : i32 to vector<16xi32>
          %broadcast_in_dim3A_126 = arith.constant 256 : i32
          %broadcast_in_dim3A_127 = vector.broadcast %broadcast_in_dim3A_126 : i32 to vector<16xi32>
          %gather3A = tpu.vector_load_idx %arg16[%broadcast_in_dim3A_125, %broadcast_in_dim3A_127] : memref<128x272xf32, #tpu.memory_space<vmem>>[vector<16xi32>, vector<16xi32>], vector<16xf32>,
          %get3A_128 = arith.constant 0 : i32
          %get3A_129 = tpu.memref_slice %arg16[%scan3A_103, %get3A_128] : memref<128x272xf32, #tpu.memory_space<vmem>> -> memref<1x272xf32, #tpu.memory_space<vmem>>
          %get3A_130 = tpu.memref_squeeze %get3A_129 : memref<1x272xf32, #tpu.memory_space<vmem>> -> memref<272xf32, #tpu.memory_space<vmem>>
          %get3A_131 = arith.constant 0 : index
          %get3A_132 = tpu.vector_load %get3A_130[%get3A_131] {strides = array<i32>} : memref<272xf32, #tpu.memory_space<vmem>>, vector<16xf32>,
          %mul3A_133 = arith.mulf %get3A_132, %gather3A : vector<16xf32>
          %swap3A_134 = arith.constant 0 : i32
          %swap3A_135 = tpu.memref_slice %arg16[%scan3A_103, %swap3A_134] : memref<128x272xf32, #tpu.memory_space<vmem>> -> memref<1x272xf32, #tpu.memory_space<vmem>>
          %swap3A_136 = tpu.memref_squeeze %swap3A_135 : memref<1x272xf32, #tpu.memory_space<vmem>> -> memref<272xf32, #tpu.memory_space<vmem>>
          %swap3A_137 = arith.constant 0 : index
          %swap3A_138 = tpu.vector_load %swap3A_136[%swap3A_137] {strides = array<i32>} : memref<272xf32, #tpu.memory_space<vmem>>, vector<16xf32>,
          tpu.vector_store %swap3A_136[%swap3A_137], %mul3A_133 {strides = array<i32>} : memref<272xf32, #tpu.memory_space<vmem>>, vector<16xf32>,
          %get3A_139 = arith.constant 0 : i32
          %get3A_140 = tpu.memref_slice %arg16[%scan3A_103, %get3A_139] : memref<128x272xf32, #tpu.memory_space<vmem>> -> memref<1x272xf32, #tpu.memory_space<vmem>>
          %get3A_141 = tpu.memref_squeeze %get3A_140 : memref<1x272xf32, #tpu.memory_space<vmem>> -> memref<272xf32, #tpu.memory_space<vmem>>
          %get3A_142 = arith.constant 16 : index
          %get3A_143 = tpu.vector_load %get3A_141[%get3A_142] {strides = array<i32>} : memref<272xf32, #tpu.memory_space<vmem>>, vector<16xf32>,
          %mul3A_144 = arith.mulf %get3A_143, %gather3A : vector<16xf32>
          %swap3A_145 = arith.constant 0 : i32
          %swap3A_146 = tpu.memref_slice %arg16[%scan3A_103, %swap3A_145] : memref<128x272xf32, #tpu.memory_space<vmem>> -> memref<1x272xf32, #tpu.memory_space<vmem>>
          %swap3A_147 = tpu.memref_squeeze %swap3A_146 : memref<1x272xf32, #tpu.memory_space<vmem>> -> memref<272xf32, #tpu.memory_space<vmem>>
          %swap3A_148 = arith.constant 16 : index
          %swap3A_149 = tpu.vector_load %swap3A_147[%swap3A_148] {strides = array<i32>} : memref<272xf32, #tpu.memory_space<vmem>>, vector<16xf32>,
          tpu.vector_store %swap3A_147[%swap3A_148], %mul3A_144 {strides = array<i32>} : memref<272xf32, #tpu.memory_space<vmem>>, vector<16xf32>,
          %broadcast_in_dim3A_150 = arith.constant 257 : i32
          %broadcast_in_dim3A_151 = vector.broadcast %broadcast_in_dim3A_150 : i32 to vector<16xi32>
          %gather3A_152 = tpu.vector_load_idx %arg16[%broadcast_in_dim3A_125, %broadcast_in_dim3A_151] : memref<128x272xf32, #tpu.memory_space<vmem>>[vector<16xi32>, vector<16xi32>], vector<16xf32>,
          %get3A_153 = arith.constant 0 : i32
          %get3A_154 = tpu.memref_slice %arg16[%scan3A_103, %get3A_153] : memref<128x272xf32, #tpu.memory_space<vmem>> -> memref<1x272xf32, #tpu.memory_space<vmem>>
          %get3A_155 = tpu.memref_squeeze %get3A_154 : memref<1x272xf32, #tpu.memory_space<vmem>> -> memref<272xf32, #tpu.memory_space<vmem>>
          %get3A_156 = arith.constant 32 : index
          %get3A_157 = tpu.vector_load %get3A_155[%get3A_156] {strides = array<i32>} : memref<272xf32, #tpu.memory_space<vmem>>, vector<16xf32>,
          %mul3A_158 = arith.mulf %get3A_157, %gather3A_152 : vector<16xf32>
          %swap3A_159 = arith.constant 0 : i32
          %swap3A_160 = tpu.memref_slice %arg16[%scan3A_103, %swap3A_159] : memref<128x272xf32, #tpu.memory_space<vmem>> -> memref<1x272xf32, #tpu.memory_space<vmem>>
          %swap3A_161 = tpu.memref_squeeze %swap3A_160 : memref<1x272xf32, #tpu.memory_space<vmem>> -> memref<272xf32, #tpu.memory_space<vmem>>
          %swap3A_162 = arith.constant 32 : index
          %swap3A_163 = tpu.vector_load %swap3A_161[%swap3A_162] {strides = array<i32>} : memref<272xf32, #tpu.memory_space<vmem>>, vector<16xf32>,
          tpu.vector_store %swap3A_161[%swap3A_162], %mul3A_158 {strides = array<i32>} : memref<272xf32, #tpu.memory_space<vmem>>, vector<16xf32>,
          %get3A_164 = arith.constant 0 : i32
          %get3A_165 = tpu.memref_slice %arg16[%scan3A_103, %get3A_164] : memref<128x272xf32, #tpu.memory_space<vmem>> -> memref<1x272xf32, #tpu.memory_space<vmem>>
          %get3A_166 = tpu.memref_squeeze %get3A_165 : memref<1x272xf32, #tpu.memory_space<vmem>> -> memref<272xf32, #tpu.memory_space<vmem>>
          %get3A_167 = arith.constant 48 : index
          %get3A_168 = tpu.vector_load %get3A_166[%get3A_167] {strides = array<i32>} : memref<272xf32, #tpu.memory_space<vmem>>, vector<16xf32>,
          %mul3A_169 = arith.mulf %get3A_168, %gather3A_152 : vector<16xf32>
          %swap3A_170 = arith.constant 0 : i32
          %swap3A_171 = tpu.memref_slice %arg16[%scan3A_103, %swap3A_170] : memref<128x272xf32, #tpu.memory_space<vmem>> -> memref<1x272xf32, #tpu.memory_space<vmem>>
          %swap3A_172 = tpu.memref_squeeze %swap3A_171 : memref<1x272xf32, #tpu.memory_space<vmem>> -> memref<272xf32, #tpu.memory_space<vmem>>
          %swap3A_173 = arith.constant 48 : index
          %swap3A_174 = tpu.vector_load %swap3A_172[%swap3A_173] {strides = array<i32>} : memref<272xf32, #tpu.memory_space<vmem>>, vector<16xf32>,
          tpu.vector_store %swap3A_172[%swap3A_173], %mul3A_169 {strides = array<i32>} : memref<272xf32, #tpu.memory_space<vmem>>, vector<16xf32>,
          %broadcast_in_dim3A_175 = arith.constant 258 : i32
          %broadcast_in_dim3A_176 = vector.broadcast %broadcast_in_dim3A_175 : i32 to vector<16xi32>
          %gather3A_177 = tpu.vector_load_idx %arg16[%broadcast_in_dim3A_125, %broadcast_in_dim3A_176] : memref<128x272xf32, #tpu.memory_space<vmem>>[vector<16xi32>, vector<16xi32>], vector<16xf32>,
          %get3A_178 = arith.constant 0 : i32
          %get3A_179 = tpu.memref_slice %arg16[%scan3A_103, %get3A_178] : memref<128x272xf32, #tpu.memory_space<vmem>> -> memref<1x272xf32, #tpu.memory_space<vmem>>
          %get3A_180 = tpu.memref_squeeze %get3A_179 : memref<1x272xf32, #tpu.memory_space<vmem>> -> memref<272xf32, #tpu.memory_space<vmem>>
          %get3A_181 = arith.constant 64 : index
          %get3A_182 = tpu.vector_load %get3A_180[%get3A_181] {strides = array<i32>} : memref<272xf32, #tpu.memory_space<vmem>>, vector<16xf32>,
          %mul3A_183 = arith.mulf %get3A_182, %gather3A_177 : vector<16xf32>
          %swap3A_184 = arith.constant 0 : i32
          %swap3A_185 = tpu.memref_slice %arg16[%scan3A_103, %swap3A_184] : memref<128x272xf32, #tpu.memory_space<vmem>> -> memref<1x272xf32, #tpu.memory_space<vmem>>
          %swap3A_186 = tpu.memref_squeeze %swap3A_185 : memref<1x272xf32, #tpu.memory_space<vmem>> -> memref<272xf32, #tpu.memory_space<vmem>>
          %swap3A_187 = arith.constant 64 : index
          %swap3A_188 = tpu.vector_load %swap3A_186[%swap3A_187] {strides = array<i32>} : memref<272xf32, #tpu.memory_space<vmem>>, vector<16xf32>,
          tpu.vector_store %swap3A_186[%swap3A_187], %mul3A_183 {strides = array<i32>} : memref<272xf32, #tpu.memory_space<vmem>>, vector<16xf32>,
          %get3A_189 = arith.constant 0 : i32
          %get3A_190 = tpu.memref_slice %arg16[%scan3A_103, %get3A_189] : memref<128x272xf32, #tpu.memory_space<vmem>> -> memref<1x272xf32, #tpu.memory_space<vmem>>
          %get3A_191 = tpu.memref_squeeze %get3A_190 : memref<1x272xf32, #tpu.memory_space<vmem>> -> memref<272xf32, #tpu.memory_space<vmem>>
          %get3A_192 = arith.constant 80 : index
          %get3A_193 = tpu.vector_load %get3A_191[%get3A_192] {strides = array<i32>} : memref<272xf32, #tpu.memory_space<vmem>>, vector<16xf32>,
          %mul3A_194 = arith.mulf %get3A_193, %gather3A_177 : vector<16xf32>
          %swap3A_195 = arith.constant 0 : i32
          %swap3A_196 = tpu.memref_slice %arg16[%scan3A_103, %swap3A_195] : memref<128x272xf32, #tpu.memory_space<vmem>> -> memref<1x272xf32, #tpu.memory_space<vmem>>
          %swap3A_197 = tpu.memref_squeeze %swap3A_196 : memref<1x272xf32, #tpu.memory_space<vmem>> -> memref<272xf32, #tpu.memory_space<vmem>>
          %swap3A_198 = arith.constant 80 : index
          %swap3A_199 = tpu.vector_load %swap3A_197[%swap3A_198] {strides = array<i32>} : memref<272xf32, #tpu.memory_space<vmem>>, vector<16xf32>,
          tpu.vector_store %swap3A_197[%swap3A_198], %mul3A_194 {strides = array<i32>} : memref<272xf32, #tpu.memory_space<vmem>>, vector<16xf32>,
          %broadcast_in_dim3A_200 = arith.constant 259 : i32
          %broadcast_in_dim3A_201 = vector.broadcast %broadcast_in_dim3A_200 : i32 to vector<16xi32>
          %gather3A_202 = tpu.vector_load_idx %arg16[%broadcast_in_dim3A_125, %broadcast_in_dim3A_201] : memref<128x272xf32, #tpu.memory_space<vmem>>[vector<16xi32>, vector<16xi32>], vector<16xf32>,
          %get3A_203 = arith.constant 0 : i32
          %get3A_204 = tpu.memref_slice %arg16[%scan3A_103, %get3A_203] : memref<128x272xf32, #tpu.memory_space<vmem>> -> memref<1x272xf32, #tpu.memory_space<vmem>>
          %get3A_205 = tpu.memref_squeeze %get3A_204 : memref<1x272xf32, #tpu.memory_space<vmem>> -> memref<272xf32, #tpu.memory_space<vmem>>
          %get3A_206 = arith.constant 96 : index
          %get3A_207 = tpu.vector_load %get3A_205[%get3A_206] {strides = array<i32>} : memref<272xf32, #tpu.memory_space<vmem>>, vector<16xf32>,
          %mul3A_208 = arith.mulf %get3A_207, %gather3A_202 : vector<16xf32>
          %swap3A_209 = arith.constant 0 : i32
          %swap3A_210 = tpu.memref_slice %arg16[%scan3A_103, %swap3A_209] : memref<128x272xf32, #tpu.memory_space<vmem>> -> memref<1x272xf32, #tpu.memory_space<vmem>>
          %swap3A_211 = tpu.memref_squeeze %swap3A_210 : memref<1x272xf32, #tpu.memory_space<vmem>> -> memref<272xf32, #tpu.memory_space<vmem>>
          %swap3A_212 = arith.constant 96 : index
          %swap3A_213 = tpu.vector_load %swap3A_211[%swap3A_212] {strides = array<i32>} : memref<272xf32, #tpu.memory_space<vmem>>, vector<16xf32>,
          tpu.vector_store %swap3A_211[%swap3A_212], %mul3A_208 {strides = array<i32>} : memref<272xf32, #tpu.memory_space<vmem>>, vector<16xf32>,
          %get3A_214 = arith.constant 0 : i32
          %get3A_215 = tpu.memref_slice %arg16[%scan3A_103, %get3A_214] : memref<128x272xf32, #tpu.memory_space<vmem>> -> memref<1x272xf32, #tpu.memory_space<vmem>>
          %get3A_216 = tpu.memref_squeeze %get3A_215 : memref<1x272xf32, #tpu.memory_space<vmem>> -> memref<272xf32, #tpu.memory_space<vmem>>
          %get3A_217 = arith.constant 112 : index
          %get3A_218 = tpu.vector_load %get3A_216[%get3A_217] {strides = array<i32>} : memref<272xf32, #tpu.memory_space<vmem>>, vector<16xf32>,
          %mul3A_219 = arith.mulf %get3A_218, %gather3A_202 : vector<16xf32>
          %swap3A_220 = arith.constant 0 : i32
          %swap3A_221 = tpu.memref_slice %arg16[%scan3A_103, %swap3A_220] : memref<128x272xf32, #tpu.memory_space<vmem>> -> memref<1x272xf32, #tpu.memory_space<vmem>>
          %swap3A_222 = tpu.memref_squeeze %swap3A_221 : memref<1x272xf32, #tpu.memory_space<vmem>> -> memref<272xf32, #tpu.memory_space<vmem>>
          %swap3A_223 = arith.constant 112 : index
          %swap3A_224 = tpu.vector_load %swap3A_222[%swap3A_223] {strides = array<i32>} : memref<272xf32, #tpu.memory_space<vmem>>, vector<16xf32>,
          tpu.vector_store %swap3A_222[%swap3A_223], %mul3A_219 {strides = array<i32>} : memref<272xf32, #tpu.memory_space<vmem>>, vector<16xf32>,
          %broadcast_in_dim3A_225 = arith.constant 260 : i32
          %broadcast_in_dim3A_226 = vector.broadcast %broadcast_in_dim3A_225 : i32 to vector<16xi32>
          %gather3A_227 = tpu.vector_load_idx %arg16[%broadcast_in_dim3A_125, %broadcast_in_dim3A_226] : memref<128x272xf32, #tpu.memory_space<vmem>>[vector<16xi32>, vector<16xi32>], vector<16xf32>,
          %get3A_228 = arith.constant 0 : i32
          %get3A_229 = tpu.memref_slice %arg16[%scan3A_103, %get3A_228] : memref<128x272xf32, #tpu.memory_space<vmem>> -> memref<1x272xf32, #tpu.memory_space<vmem>>
          %get3A_230 = tpu.memref_squeeze %get3A_229 : memref<1x272xf32, #tpu.memory_space<vmem>> -> memref<272xf32, #tpu.memory_space<vmem>>
          %get3A_231 = arith.constant 128 : index
          %get3A_232 = tpu.vector_load %get3A_230[%get3A_231] {strides = array<i32>} : memref<272xf32, #tpu.memory_space<vmem>>, vector<16xf32>,
          %mul3A_233 = arith.mulf %get3A_232, %gather3A_227 : vector<16xf32>
          %swap3A_234 = arith.constant 0 : i32
          %swap3A_235 = tpu.memref_slice %arg16[%scan3A_103, %swap3A_234] : memref<128x272xf32, #tpu.memory_space<vmem>> -> memref<1x272xf32, #tpu.memory_space<vmem>>
          %swap3A_236 = tpu.memref_squeeze %swap3A_235 : memref<1x272xf32, #tpu.memory_space<vmem>> -> memref<272xf32, #tpu.memory_space<vmem>>
          %swap3A_237 = arith.constant 128 : index
          %swap3A_238 = tpu.vector_load %swap3A_236[%swap3A_237] {strides = array<i32>} : memref<272xf32, #tpu.memory_space<vmem>>, vector<16xf32>,
          tpu.vector_store %swap3A_236[%swap3A_237], %mul3A_233 {strides = array<i32>} : memref<272xf32, #tpu.memory_space<vmem>>, vector<16xf32>,
          %get3A_239 = arith.constant 0 : i32
          %get3A_240 = tpu.memref_slice %arg16[%scan3A_103, %get3A_239] : memref<128x272xf32, #tpu.memory_space<vmem>> -> memref<1x272xf32, #tpu.memory_space<vmem>>
          %get3A_241 = tpu.memref_squeeze %get3A_240 : memref<1x272xf32, #tpu.memory_space<vmem>> -> memref<272xf32, #tpu.memory_space<vmem>>
          %get3A_242 = arith.constant 144 : index
          %get3A_243 = tpu.vector_load %get3A_241[%get3A_242] {strides = array<i32>} : memref<272xf32, #tpu.memory_space<vmem>>, vector<16xf32>,
          %mul3A_244 = arith.mulf %get3A_243, %gather3A_227 : vector<16xf32>
          %swap3A_245 = arith.constant 0 : i32
          %swap3A_246 = tpu.memref_slice %arg16[%scan3A_103, %swap3A_245] : memref<128x272xf32, #tpu.memory_space<vmem>> -> memref<1x272xf32, #tpu.memory_space<vmem>>
          %swap3A_247 = tpu.memref_squeeze %swap3A_246 : memref<1x272xf32, #tpu.memory_space<vmem>> -> memref<272xf32, #tpu.memory_space<vmem>>
          %swap3A_248 = arith.constant 144 : index
          %swap3A_249 = tpu.vector_load %swap3A_247[%swap3A_248] {strides = array<i32>} : memref<272xf32, #tpu.memory_space<vmem>>, vector<16xf32>,
          tpu.vector_store %swap3A_247[%swap3A_248], %mul3A_244 {strides = array<i32>} : memref<272xf32, #tpu.memory_space<vmem>>, vector<16xf32>,
          %broadcast_in_dim3A_250 = arith.constant 261 : i32
          %broadcast_in_dim3A_251 = vector.broadcast %broadcast_in_dim3A_250 : i32 to vector<16xi32>
          %gather3A_252 = tpu.vector_load_idx %arg16[%broadcast_in_dim3A_125, %broadcast_in_dim3A_251] : memref<128x272xf32, #tpu.memory_space<vmem>>[vector<16xi32>, vector<16xi32>], vector<16xf32>,
          %get3A_253 = arith.constant 0 : i32
          %get3A_254 = tpu.memref_slice %arg16[%scan3A_103, %get3A_253] : memref<128x272xf32, #tpu.memory_space<vmem>> -> memref<1x272xf32, #tpu.memory_space<vmem>>
          %get3A_255 = tpu.memref_squeeze %get3A_254 : memref<1x272xf32, #tpu.memory_space<vmem>> -> memref<272xf32, #tpu.memory_space<vmem>>
          %get3A_256 = arith.constant 160 : index
          %get3A_257 = tpu.vector_load %get3A_255[%get3A_256] {strides = array<i32>} : memref<272xf32, #tpu.memory_space<vmem>>, vector<16xf32>,
          %mul3A_258 = arith.mulf %get3A_257, %gather3A_252 : vector<16xf32>
          %swap3A_259 = arith.constant 0 : i32
          %swap3A_260 = tpu.memref_slice %arg16[%scan3A_103, %swap3A_259] : memref<128x272xf32, #tpu.memory_space<vmem>> -> memref<1x272xf32, #tpu.memory_space<vmem>>
          %swap3A_261 = tpu.memref_squeeze %swap3A_260 : memref<1x272xf32, #tpu.memory_space<vmem>> -> memref<272xf32, #tpu.memory_space<vmem>>
          %swap3A_262 = arith.constant 160 : index
          %swap3A_263 = tpu.vector_load %swap3A_261[%swap3A_262] {strides = array<i32>} : memref<272xf32, #tpu.memory_space<vmem>>, vector<16xf32>,
          tpu.vector_store %swap3A_261[%swap3A_262], %mul3A_258 {strides = array<i32>} : memref<272xf32, #tpu.memory_space<vmem>>, vector<16xf32>,
          %get3A_264 = arith.constant 0 : i32
          %get3A_265 = tpu.memref_slice %arg16[%scan3A_103, %get3A_264] : memref<128x272xf32, #tpu.memory_space<vmem>> -> memref<1x272xf32, #tpu.memory_space<vmem>>
          %get3A_266 = tpu.memref_squeeze %get3A_265 : memref<1x272xf32, #tpu.memory_space<vmem>> -> memref<272xf32, #tpu.memory_space<vmem>>
          %get3A_267 = arith.constant 176 : index
          %get3A_268 = tpu.vector_load %get3A_266[%get3A_267] {strides = array<i32>} : memref<272xf32, #tpu.memory_space<vmem>>, vector<16xf32>,
          %mul3A_269 = arith.mulf %get3A_268, %gather3A_252 : vector<16xf32>
          %swap3A_270 = arith.constant 0 : i32
          %swap3A_271 = tpu.memref_slice %arg16[%scan3A_103, %swap3A_270] : memref<128x272xf32, #tpu.memory_space<vmem>> -> memref<1x272xf32, #tpu.memory_space<vmem>>
          %swap3A_272 = tpu.memref_squeeze %swap3A_271 : memref<1x272xf32, #tpu.memory_space<vmem>> -> memref<272xf32, #tpu.memory_space<vmem>>
          %swap3A_273 = arith.constant 176 : index
          %swap3A_274 = tpu.vector_load %swap3A_272[%swap3A_273] {strides = array<i32>} : memref<272xf32, #tpu.memory_space<vmem>>, vector<16xf32>,
          tpu.vector_store %swap3A_272[%swap3A_273], %mul3A_269 {strides = array<i32>} : memref<272xf32, #tpu.memory_space<vmem>>, vector<16xf32>,
          %broadcast_in_dim3A_275 = arith.constant 262 : i32
          %broadcast_in_dim3A_276 = vector.broadcast %broadcast_in_dim3A_275 : i32 to vector<16xi32>
          %gather3A_277 = tpu.vector_load_idx %arg16[%broadcast_in_dim3A_125, %broadcast_in_dim3A_276] : memref<128x272xf32, #tpu.memory_space<vmem>>[vector<16xi32>, vector<16xi32>], vector<16xf32>,
          %get3A_278 = arith.constant 0 : i32
          %get3A_279 = tpu.memref_slice %arg16[%scan3A_103, %get3A_278] : memref<128x272xf32, #tpu.memory_space<vmem>> -> memref<1x272xf32, #tpu.memory_space<vmem>>
          %get3A_280 = tpu.memref_squeeze %get3A_279 : memref<1x272xf32, #tpu.memory_space<vmem>> -> memref<272xf32, #tpu.memory_space<vmem>>
          %get3A_281 = arith.constant 192 : index
          %get3A_282 = tpu.vector_load %get3A_280[%get3A_281] {strides = array<i32>} : memref<272xf32, #tpu.memory_space<vmem>>, vector<16xf32>,
          %mul3A_283 = arith.mulf %get3A_282, %gather3A_277 : vector<16xf32>
          %swap3A_284 = arith.constant 0 : i32
          %swap3A_285 = tpu.memref_slice %arg16[%scan3A_103, %swap3A_284] : memref<128x272xf32, #tpu.memory_space<vmem>> -> memref<1x272xf32, #tpu.memory_space<vmem>>
          %swap3A_286 = tpu.memref_squeeze %swap3A_285 : memref<1x272xf32, #tpu.memory_space<vmem>> -> memref<272xf32, #tpu.memory_space<vmem>>
          %swap3A_287 = arith.constant 192 : index
          %swap3A_288 = tpu.vector_load %swap3A_286[%swap3A_287] {strides = array<i32>} : memref<272xf32, #tpu.memory_space<vmem>>, vector<16xf32>,
          tpu.vector_store %swap3A_286[%swap3A_287], %mul3A_283 {strides = array<i32>} : memref<272xf32, #tpu.memory_space<vmem>>, vector<16xf32>,
          %get3A_289 = arith.constant 0 : i32
          %get3A_290 = tpu.memref_slice %arg16[%scan3A_103, %get3A_289] : memref<128x272xf32, #tpu.memory_space<vmem>> -> memref<1x272xf32, #tpu.memory_space<vmem>>
          %get3A_291 = tpu.memref_squeeze %get3A_290 : memref<1x272xf32, #tpu.memory_space<vmem>> -> memref<272xf32, #tpu.memory_space<vmem>>
          %get3A_292 = arith.constant 208 : index
          %get3A_293 = tpu.vector_load %get3A_291[%get3A_292] {strides = array<i32>} : memref<272xf32, #tpu.memory_space<vmem>>, vector<16xf32>,
          %mul3A_294 = arith.mulf %get3A_293, %gather3A_277 : vector<16xf32>
          %swap3A_295 = arith.constant 0 : i32
          %swap3A_296 = tpu.memref_slice %arg16[%scan3A_103, %swap3A_295] : memref<128x272xf32, #tpu.memory_space<vmem>> -> memref<1x272xf32, #tpu.memory_space<vmem>>
          %swap3A_297 = tpu.memref_squeeze %swap3A_296 : memref<1x272xf32, #tpu.memory_space<vmem>> -> memref<272xf32, #tpu.memory_space<vmem>>
          %swap3A_298 = arith.constant 208 : index
          %swap3A_299 = tpu.vector_load %swap3A_297[%swap3A_298] {strides = array<i32>} : memref<272xf32, #tpu.memory_space<vmem>>, vector<16xf32>,
          tpu.vector_store %swap3A_297[%swap3A_298], %mul3A_294 {strides = array<i32>} : memref<272xf32, #tpu.memory_space<vmem>>, vector<16xf32>,
          %broadcast_in_dim3A_300 = arith.constant 263 : i32
          %broadcast_in_dim3A_301 = vector.broadcast %broadcast_in_dim3A_300 : i32 to vector<16xi32>
          %gather3A_302 = tpu.vector_load_idx %arg16[%broadcast_in_dim3A_125, %broadcast_in_dim3A_301] : memref<128x272xf32, #tpu.memory_space<vmem>>[vector<16xi32>, vector<16xi32>], vector<16xf32>,
          %get3A_303 = arith.constant 0 : i32
          %get3A_304 = tpu.memref_slice %arg16[%scan3A_103, %get3A_303] : memref<128x272xf32, #tpu.memory_space<vmem>> -> memref<1x272xf32, #tpu.memory_space<vmem>>
          %get3A_305 = tpu.memref_squeeze %get3A_304 : memref<1x272xf32, #tpu.memory_space<vmem>> -> memref<272xf32, #tpu.memory_space<vmem>>
          %get3A_306 = arith.constant 224 : index
          %get3A_307 = tpu.vector_load %get3A_305[%get3A_306] {strides = array<i32>} : memref<272xf32, #tpu.memory_space<vmem>>, vector<16xf32>,
          %mul3A_308 = arith.mulf %get3A_307, %gather3A_302 : vector<16xf32>
          %swap3A_309 = arith.constant 0 : i32
          %swap3A_310 = tpu.memref_slice %arg16[%scan3A_103, %swap3A_309] : memref<128x272xf32, #tpu.memory_space<vmem>> -> memref<1x272xf32, #tpu.memory_space<vmem>>
          %swap3A_311 = tpu.memref_squeeze %swap3A_310 : memref<1x272xf32, #tpu.memory_space<vmem>> -> memref<272xf32, #tpu.memory_space<vmem>>
          %swap3A_312 = arith.constant 224 : index
          %swap3A_313 = tpu.vector_load %swap3A_311[%swap3A_312] {strides = array<i32>} : memref<272xf32, #tpu.memory_space<vmem>>, vector<16xf32>,
          tpu.vector_store %swap3A_311[%swap3A_312], %mul3A_308 {strides = array<i32>} : memref<272xf32, #tpu.memory_space<vmem>>, vector<16xf32>,
          %get3A_314 = arith.constant 0 : i32
          %get3A_315 = tpu.memref_slice %arg16[%scan3A_103, %get3A_314] : memref<128x272xf32, #tpu.memory_space<vmem>> -> memref<1x272xf32, #tpu.memory_space<vmem>>
          %get3A_316 = tpu.memref_squeeze %get3A_315 : memref<1x272xf32, #tpu.memory_space<vmem>> -> memref<272xf32, #tpu.memory_space<vmem>>
          %get3A_317 = arith.constant 240 : index
          %get3A_318 = tpu.vector_load %get3A_316[%get3A_317] {strides = array<i32>} : memref<272xf32, #tpu.memory_space<vmem>>, vector<16xf32>,
          %mul3A_319 = arith.mulf %get3A_318, %gather3A_302 : vector<16xf32>
          %swap3A_320 = arith.constant 0 : i32
          %swap3A_321 = tpu.memref_slice %arg16[%scan3A_103, %swap3A_320] : memref<128x272xf32, #tpu.memory_space<vmem>> -> memref<1x272xf32, #tpu.memory_space<vmem>>
          %swap3A_322 = tpu.memref_squeeze %swap3A_321 : memref<1x272xf32, #tpu.memory_space<vmem>> -> memref<272xf32, #tpu.memory_space<vmem>>
          %swap3A_323 = arith.constant 240 : index
          %swap3A_324 = tpu.vector_load %swap3A_322[%swap3A_323] {strides = array<i32>} : memref<272xf32, #tpu.memory_space<vmem>>, vector<16xf32>,
          tpu.vector_store %swap3A_322[%swap3A_323], %mul3A_319 {strides = array<i32>} : memref<272xf32, #tpu.memory_space<vmem>>, vector<16xf32>,
          %scan3A_325 = arith.constant 0 : i32
          scf.yield %scan3A_325 : i32
        }
        %scan3A_101 = arith.constant 128 : i32
        "tpu.region"() ({
          %run_scoped3A = tpu.sem_alloc : memref<!tpu.dma_semaphore, #tpu.memory_space<semaphore_mem>>
          %dma_start3A_103 = arith.constant 0 : i32
          %dma_start3A_104 = tpu.memref_slice %arg15[%while3A_71, %dma_start3A_103] : memref<8x128xi32, #tpu.memory_space<vmem>> -> memref<1x128xi32, #tpu.memory_space<vmem>>
          %dma_start3A_105 = tpu.memref_squeeze %dma_start3A_104 : memref<1x128xi32, #tpu.memory_space<vmem>> -> memref<128xi32, #tpu.memory_space<vmem>>
          %dma_start3A_106 = arith.constant 0 : i32
          %dma_start3A_107 = arith.constant 0 : i32
          %dma_start3A_108 = tpu.memref_slice %arg9[%dma_start3A_106, %dma_start3A_107] : memref<5120x272xf32, #tpu.memory_space<vmem_shared>> -> memref<5120x272xf32, #tpu.memory_space<vmem_shared>>
          tpu.enqueue_indirect_dma source(%arg16 : memref<128x272xf32, #tpu.memory_space<vmem>>) target(%dma_start3A_108 : memref<5120x272xf32, #tpu.memory_space<vmem_shared>>) offsets(%dma_start3A_105 : memref<128xi32, #tpu.memory_space<vmem>>) semaphore(%run_scoped3A : memref<!tpu.dma_semaphore, #tpu.memory_space<semaphore_mem>>) {add = true}
          %dma_wait3A_109 = arith.constant 0 : i32
          %dma_wait3A_110 = tpu.memref_slice %arg15[%while3A_71, %dma_wait3A_109] : memref<8x128xi32, #tpu.memory_space<vmem>> -> memref<1x128xi32, #tpu.memory_space<vmem>>
          %dma_wait3A_111 = tpu.memref_squeeze %dma_wait3A_110 : memref<1x128xi32, #tpu.memory_space<vmem>> -> memref<128xi32, #tpu.memory_space<vmem>>
          %dma_wait3A_112 = arith.constant 0 : i32
          %dma_wait3A_113 = arith.constant 0 : i32
          %dma_wait3A_114 = tpu.memref_slice %arg9[%dma_wait3A_112, %dma_wait3A_113] : memref<5120x272xf32, #tpu.memory_space<vmem_shared>> -> memref<5120x272xf32, #tpu.memory_space<vmem_shared>>
          tpu.wait_indirect_dma semaphore(%run_scoped3A : memref<!tpu.dma_semaphore, #tpu.memory_space<semaphore_mem>>) src(%arg16 : memref<128x272xf32, #tpu.memory_space<vmem>>) dst(%dma_wait3A_114 : memref<5120x272xf32, #tpu.memory_space<vmem_shared>>)
          tpu.yield
        }) : () -> ()
        %while3A_102 = arith.constant 0 : i32
        scf.yield %while3A_102 : i32
      }
      %while3A_68 = arith.constant 1 : i32
      %while3A_69 = scf.for %while3A_71 = %while3A_65 to %while3A_61 step %while3A_68 iter_args(%while3A_72 = %while3A_67) -> (i32)  : i32 {
        %dma_start3A = arith.constant 0 : i32
        %dma_start3A_73 = tpu.memref_slice %arg13[%while3A_71, %dma_start3A] : memref<8x128xi32, #tpu.memory_space<vmem>> -> memref<1x128xi32, #tpu.memory_space<vmem>>
        %dma_start3A_74 = tpu.memref_squeeze %dma_start3A_73 : memref<1x128xi32, #tpu.memory_space<vmem>> -> memref<128xi32, #tpu.memory_space<vmem>>
        %dma_start3A_75 = arith.constant 0 : i32
        %dma_start3A_76 = arith.constant 0 : i32
        %dma_start3A_77 = tpu.memref_slice %arg2[%dma_start3A_75, %dma_start3A_76] : memref<81920x272xf32, #tpu.memory_space<hbm>> -> memref<81920x272xf32, #tpu.memory_space<hbm>>
        tpu.enqueue_indirect_dma source(%dma_start3A_77 : memref<81920x272xf32, #tpu.memory_space<hbm>>) target(%arg16 : memref<128x272xf32, #tpu.memory_space<vmem>>) offsets(%dma_start3A_74 : memref<128xi32, #tpu.memory_space<vmem>>) semaphore(%arg18 : memref<!tpu.dma_semaphore, #tpu.memory_space<semaphore_mem>>)
        %dma_start3A_78 = arith.constant 0 : i32
        %dma_start3A_79 = tpu.memref_slice %arg14[%while3A_71, %dma_start3A_78] : memref<8x128xi32, #tpu.memory_space<vmem>> -> memref<1x128xi32, #tpu.memory_space<vmem>>
        %dma_start3A_80 = tpu.memref_squeeze %dma_start3A_79 : memref<1x128xi32, #tpu.memory_space<vmem>> -> memref<128xi32, #tpu.memory_space<vmem>>
        %dma_start3A_81 = arith.constant 0 : i32
        %dma_start3A_82 = arith.constant 0 : i32
        %dma_start3A_83 = tpu.memref_slice %arg3[%dma_start3A_81, %dma_start3A_82] : memref<81920x16xf32, #tpu.memory_space<hbm>> -> memref<81920x16xf32, #tpu.memory_space<hbm>>
        tpu.enqueue_indirect_dma source(%dma_start3A_83 : memref<81920x16xf32, #tpu.memory_space<hbm>>) target(%arg17 : memref<128x16xf32, #tpu.memory_space<vmem>>) offsets(%dma_start3A_80 : memref<128xi32, #tpu.memory_space<vmem>>) semaphore(%arg19 : memref<!tpu.dma_semaphore, #tpu.memory_space<semaphore_mem>>)
        %dma_wait3A = arith.constant 0 : i32
        %dma_wait3A_84 = tpu.memref_slice %arg13[%while3A_71, %dma_wait3A] : memref<8x128xi32, #tpu.memory_space<vmem>> -> memref<1x128xi32, #tpu.memory_space<vmem>>
        %dma_wait3A_85 = tpu.memref_squeeze %dma_wait3A_84 : memref<1x128xi32, #tpu.memory_space<vmem>> -> memref<128xi32, #tpu.memory_space<vmem>>
        %dma_wait3A_86 = arith.constant 0 : i32
        %dma_wait3A_87 = arith.constant 0 : i32
        %dma_wait3A_88 = tpu.memref_slice %arg2[%dma_wait3A_86, %dma_wait3A_87] : memref<81920x272xf32, #tpu.memory_space<hbm>> -> memref<81920x272xf32, #tpu.memory_space<hbm>>
        tpu.wait_indirect_dma semaphore(%arg18 : memref<!tpu.dma_semaphore, #tpu.memory_space<semaphore_mem>>) src(%dma_wait3A_88 : memref<81920x272xf32, #tpu.memory_space<hbm>>) dst(%arg16 : memref<128x272xf32, #tpu.memory_space<vmem>>)
        %dma_wait3A_89 = arith.constant 0 : i32
        %dma_wait3A_90 = tpu.memref_slice %arg14[%while3A_71, %dma_wait3A_89] : memref<8x128xi32, #tpu.memory_space<vmem>> -> memref<1x128xi32, #tpu.memory_space<vmem>>
        %dma_wait3A_91 = tpu.memref_squeeze %dma_wait3A_90 : memref<1x128xi32, #tpu.memory_space<vmem>> -> memref<128xi32, #tpu.memory_space<vmem>>
        %dma_wait3A_92 = arith.constant 0 : i32
        %dma_wait3A_93 = arith.constant 0 : i32
        %dma_wait3A_94 = tpu.memref_slice %arg3[%dma_wait3A_92, %dma_wait3A_93] : memref<81920x16xf32, #tpu.memory_space<hbm>> -> memref<81920x16xf32, #tpu.memory_space<hbm>>
        tpu.wait_indirect_dma semaphore(%arg19 : memref<!tpu.dma_semaphore, #tpu.memory_space<semaphore_mem>>) src(%dma_wait3A_94 : memref<81920x16xf32, #tpu.memory_space<hbm>>) dst(%arg17 : memref<128x16xf32, #tpu.memory_space<vmem>>)
        %scan3A_95 = arith.constant 0 : i32
        %scan3A_96 = arith.constant 0 : i32
        %scan3A_97 = arith.constant 128 : i32
        %scan3A_98 = arith.addi %scan3A_96, %scan3A_97 : i32
        %scan3A_99 = arith.constant 1 : i32
        %scan3A_100 = scf.for %scan3A_103 = %scan3A_96 to %scan3A_98 step %scan3A_99 iter_args(%scan3A_104 = %scan3A_95) -> (i32)  : i32 {
          %get3A = arith.constant 0 : i32
          %get3A_105 = tpu.memref_slice %arg16[%scan3A_103, %get3A] : memref<128x272xf32, #tpu.memory_space<vmem>> -> memref<1x272xf32, #tpu.memory_space<vmem>>
          %get3A_106 = tpu.memref_squeeze %get3A_105 : memref<1x272xf32, #tpu.memory_space<vmem>> -> memref<272xf32, #tpu.memory_space<vmem>>
          %get3A_107 = arith.constant 256 : index
          %get3A_108 = tpu.vector_load %get3A_106[%get3A_107] {strides = array<i32>} : memref<272xf32, #tpu.memory_space<vmem>>, vector<16xf32>,
          %get3A_109 = arith.constant 0 : i32
          %get3A_110 = tpu.memref_slice %arg17[%scan3A_103, %get3A_109] : memref<128x16xf32, #tpu.memory_space<vmem>> -> memref<1x16xf32, #tpu.memory_space<vmem>>
          %get3A_111 = tpu.memref_squeeze %get3A_110 : memref<1x16xf32, #tpu.memory_space<vmem>> -> memref<16xf32, #tpu.memory_space<vmem>>
          %get3A_112 = arith.constant 0 : index
          %get3A_113 = tpu.vector_load %get3A_111[%get3A_112] {strides = array<i32>} : memref<16xf32, #tpu.memory_space<vmem>>, vector<16xf32>,
          %add3A_114 = arith.addf %get3A_108, %get3A_113 : vector<16xf32>
          %ge3A = arith.constant 0.000000e+00 : f32
          %ge3A_115 = vector.broadcast %ge3A : f32 to vector<16xf32>
          %ge3A_116 = arith.cmpf oge, %add3A_114, %ge3A_115 : vector<16xf32>
          %mul3A_117 = arith.constant 2.000000e-01 : f32
          %mul3A_118 = vector.broadcast %mul3A_117 : f32 to vector<16xf32>
          %mul3A_119 = arith.mulf %add3A_114, %mul3A_118 : vector<16xf32>
          %select_n3A_120 = arith.select %ge3A_116, %add3A_114, %mul3A_119 : vector<16xi1>, vector<16xf32>
          %exp3A = math.exp %select_n3A_120 : vector<16xf32>
          %swap3A = arith.constant 0 : i32
          %swap3A_121 = tpu.memref_slice %arg16[%scan3A_103, %swap3A] : memref<128x272xf32, #tpu.memory_space<vmem>> -> memref<1x272xf32, #tpu.memory_space<vmem>>
          %swap3A_122 = tpu.memref_squeeze %swap3A_121 : memref<1x272xf32, #tpu.memory_space<vmem>> -> memref<272xf32, #tpu.memory_space<vmem>>
          %swap3A_123 = arith.constant 256 : index
          %swap3A_124 = tpu.vector_load %swap3A_122[%swap3A_123] {strides = array<i32>} : memref<272xf32, #tpu.memory_space<vmem>>, vector<16xf32>,
          tpu.vector_store %swap3A_122[%swap3A_123], %exp3A {strides = array<i32>} : memref<272xf32, #tpu.memory_space<vmem>>, vector<16xf32>,
          %broadcast_in_dim3A_125 = vector.broadcast %scan3A_103 : i32 to vector<16xi32>
          %broadcast_in_dim3A_126 = arith.constant 256 : i32
          %broadcast_in_dim3A_127 = vector.broadcast %broadcast_in_dim3A_126 : i32 to vector<16xi32>
          %gather3A = tpu.vector_load_idx %arg16[%broadcast_in_dim3A_125, %broadcast_in_dim3A_127] : memref<128x272xf32, #tpu.memory_space<vmem>>[vector<16xi32>, vector<16xi32>], vector<16xf32>,
          %get3A_128 = arith.constant 0 : i32
          %get3A_129 = tpu.memref_slice %arg16[%scan3A_103, %get3A_128] : memref<128x272xf32, #tpu.memory_space<vmem>> -> memref<1x272xf32, #tpu.memory_space<vmem>>
          %get3A_130 = tpu.memref_squeeze %get3A_129 : memref<1x272xf32, #tpu.memory_space<vmem>> -> memref<272xf32, #tpu.memory_space<vmem>>
          %get3A_131 = arith.constant 0 : index
          %get3A_132 = tpu.vector_load %get3A_130[%get3A_131] {strides = array<i32>} : memref<272xf32, #tpu.memory_space<vmem>>, vector<16xf32>,
          %mul3A_133 = arith.mulf %get3A_132, %gather3A : vector<16xf32>
          %swap3A_134 = arith.constant 0 : i32
          %swap3A_135 = tpu.memref_slice %arg16[%scan3A_103, %swap3A_134] : memref<128x272xf32, #tpu.memory_space<vmem>> -> memref<1x272xf32, #tpu.memory_space<vmem>>
          %swap3A_136 = tpu.memref_squeeze %swap3A_135 : memref<1x272xf32, #tpu.memory_space<vmem>> -> memref<272xf32, #tpu.memory_space<vmem>>
          %swap3A_137 = arith.constant 0 : index
          %swap3A_138 = tpu.vector_load %swap3A_136[%swap3A_137] {strides = array<i32>} : memref<272xf32, #tpu.memory_space<vmem>>, vector<16xf32>,
          tpu.vector_store %swap3A_136[%swap3A_137], %mul3A_133 {strides = array<i32>} : memref<272xf32, #tpu.memory_space<vmem>>, vector<16xf32>,
          %get3A_139 = arith.constant 0 : i32
          %get3A_140 = tpu.memref_slice %arg16[%scan3A_103, %get3A_139] : memref<128x272xf32, #tpu.memory_space<vmem>> -> memref<1x272xf32, #tpu.memory_space<vmem>>
          %get3A_141 = tpu.memref_squeeze %get3A_140 : memref<1x272xf32, #tpu.memory_space<vmem>> -> memref<272xf32, #tpu.memory_space<vmem>>
          %get3A_142 = arith.constant 16 : index
          %get3A_143 = tpu.vector_load %get3A_141[%get3A_142] {strides = array<i32>} : memref<272xf32, #tpu.memory_space<vmem>>, vector<16xf32>,
          %mul3A_144 = arith.mulf %get3A_143, %gather3A : vector<16xf32>
          %swap3A_145 = arith.constant 0 : i32
          %swap3A_146 = tpu.memref_slice %arg16[%scan3A_103, %swap3A_145] : memref<128x272xf32, #tpu.memory_space<vmem>> -> memref<1x272xf32, #tpu.memory_space<vmem>>
          %swap3A_147 = tpu.memref_squeeze %swap3A_146 : memref<1x272xf32, #tpu.memory_space<vmem>> -> memref<272xf32, #tpu.memory_space<vmem>>
          %swap3A_148 = arith.constant 16 : index
          %swap3A_149 = tpu.vector_load %swap3A_147[%swap3A_148] {strides = array<i32>} : memref<272xf32, #tpu.memory_space<vmem>>, vector<16xf32>,
          tpu.vector_store %swap3A_147[%swap3A_148], %mul3A_144 {strides = array<i32>} : memref<272xf32, #tpu.memory_space<vmem>>, vector<16xf32>,
          %broadcast_in_dim3A_150 = arith.constant 257 : i32
          %broadcast_in_dim3A_151 = vector.broadcast %broadcast_in_dim3A_150 : i32 to vector<16xi32>
          %gather3A_152 = tpu.vector_load_idx %arg16[%broadcast_in_dim3A_125, %broadcast_in_dim3A_151] : memref<128x272xf32, #tpu.memory_space<vmem>>[vector<16xi32>, vector<16xi32>], vector<16xf32>,
          %get3A_153 = arith.constant 0 : i32
          %get3A_154 = tpu.memref_slice %arg16[%scan3A_103, %get3A_153] : memref<128x272xf32, #tpu.memory_space<vmem>> -> memref<1x272xf32, #tpu.memory_space<vmem>>
          %get3A_155 = tpu.memref_squeeze %get3A_154 : memref<1x272xf32, #tpu.memory_space<vmem>> -> memref<272xf32, #tpu.memory_space<vmem>>
          %get3A_156 = arith.constant 32 : index
          %get3A_157 = tpu.vector_load %get3A_155[%get3A_156] {strides = array<i32>} : memref<272xf32, #tpu.memory_space<vmem>>, vector<16xf32>,
          %mul3A_158 = arith.mulf %get3A_157, %gather3A_152 : vector<16xf32>
          %swap3A_159 = arith.constant 0 : i32
          %swap3A_160 = tpu.memref_slice %arg16[%scan3A_103, %swap3A_159] : memref<128x272xf32, #tpu.memory_space<vmem>> -> memref<1x272xf32, #tpu.memory_space<vmem>>
          %swap3A_161 = tpu.memref_squeeze %swap3A_160 : memref<1x272xf32, #tpu.memory_space<vmem>> -> memref<272xf32, #tpu.memory_space<vmem>>
          %swap3A_162 = arith.constant 32 : index
          %swap3A_163 = tpu.vector_load %swap3A_161[%swap3A_162] {strides = array<i32>} : memref<272xf32, #tpu.memory_space<vmem>>, vector<16xf32>,
          tpu.vector_store %swap3A_161[%swap3A_162], %mul3A_158 {strides = array<i32>} : memref<272xf32, #tpu.memory_space<vmem>>, vector<16xf32>,
          %get3A_164 = arith.constant 0 : i32
          %get3A_165 = tpu.memref_slice %arg16[%scan3A_103, %get3A_164] : memref<128x272xf32, #tpu.memory_space<vmem>> -> memref<1x272xf32, #tpu.memory_space<vmem>>
          %get3A_166 = tpu.memref_squeeze %get3A_165 : memref<1x272xf32, #tpu.memory_space<vmem>> -> memref<272xf32, #tpu.memory_space<vmem>>
          %get3A_167 = arith.constant 48 : index
          %get3A_168 = tpu.vector_load %get3A_166[%get3A_167] {strides = array<i32>} : memref<272xf32, #tpu.memory_space<vmem>>, vector<16xf32>,
          %mul3A_169 = arith.mulf %get3A_168, %gather3A_152 : vector<16xf32>
          %swap3A_170 = arith.constant 0 : i32
          %swap3A_171 = tpu.memref_slice %arg16[%scan3A_103, %swap3A_170] : memref<128x272xf32, #tpu.memory_space<vmem>> -> memref<1x272xf32, #tpu.memory_space<vmem>>
          %swap3A_172 = tpu.memref_squeeze %swap3A_171 : memref<1x272xf32, #tpu.memory_space<vmem>> -> memref<272xf32, #tpu.memory_space<vmem>>
          %swap3A_173 = arith.constant 48 : index
          %swap3A_174 = tpu.vector_load %swap3A_172[%swap3A_173] {strides = array<i32>} : memref<272xf32, #tpu.memory_space<vmem>>, vector<16xf32>,
          tpu.vector_store %swap3A_172[%swap3A_173], %mul3A_169 {strides = array<i32>} : memref<272xf32, #tpu.memory_space<vmem>>, vector<16xf32>,
          %broadcast_in_dim3A_175 = arith.constant 258 : i32
          %broadcast_in_dim3A_176 = vector.broadcast %broadcast_in_dim3A_175 : i32 to vector<16xi32>
          %gather3A_177 = tpu.vector_load_idx %arg16[%broadcast_in_dim3A_125, %broadcast_in_dim3A_176] : memref<128x272xf32, #tpu.memory_space<vmem>>[vector<16xi32>, vector<16xi32>], vector<16xf32>,
          %get3A_178 = arith.constant 0 : i32
          %get3A_179 = tpu.memref_slice %arg16[%scan3A_103, %get3A_178] : memref<128x272xf32, #tpu.memory_space<vmem>> -> memref<1x272xf32, #tpu.memory_space<vmem>>
          %get3A_180 = tpu.memref_squeeze %get3A_179 : memref<1x272xf32, #tpu.memory_space<vmem>> -> memref<272xf32, #tpu.memory_space<vmem>>
          %get3A_181 = arith.constant 64 : index
          %get3A_182 = tpu.vector_load %get3A_180[%get3A_181] {strides = array<i32>} : memref<272xf32, #tpu.memory_space<vmem>>, vector<16xf32>,
          %mul3A_183 = arith.mulf %get3A_182, %gather3A_177 : vector<16xf32>
          %swap3A_184 = arith.constant 0 : i32
          %swap3A_185 = tpu.memref_slice %arg16[%scan3A_103, %swap3A_184] : memref<128x272xf32, #tpu.memory_space<vmem>> -> memref<1x272xf32, #tpu.memory_space<vmem>>
          %swap3A_186 = tpu.memref_squeeze %swap3A_185 : memref<1x272xf32, #tpu.memory_space<vmem>> -> memref<272xf32, #tpu.memory_space<vmem>>
          %swap3A_187 = arith.constant 64 : index
          %swap3A_188 = tpu.vector_load %swap3A_186[%swap3A_187] {strides = array<i32>} : memref<272xf32, #tpu.memory_space<vmem>>, vector<16xf32>,
          tpu.vector_store %swap3A_186[%swap3A_187], %mul3A_183 {strides = array<i32>} : memref<272xf32, #tpu.memory_space<vmem>>, vector<16xf32>,
          %get3A_189 = arith.constant 0 : i32
          %get3A_190 = tpu.memref_slice %arg16[%scan3A_103, %get3A_189] : memref<128x272xf32, #tpu.memory_space<vmem>> -> memref<1x272xf32, #tpu.memory_space<vmem>>
          %get3A_191 = tpu.memref_squeeze %get3A_190 : memref<1x272xf32, #tpu.memory_space<vmem>> -> memref<272xf32, #tpu.memory_space<vmem>>
          %get3A_192 = arith.constant 80 : index
          %get3A_193 = tpu.vector_load %get3A_191[%get3A_192] {strides = array<i32>} : memref<272xf32, #tpu.memory_space<vmem>>, vector<16xf32>,
          %mul3A_194 = arith.mulf %get3A_193, %gather3A_177 : vector<16xf32>
          %swap3A_195 = arith.constant 0 : i32
          %swap3A_196 = tpu.memref_slice %arg16[%scan3A_103, %swap3A_195] : memref<128x272xf32, #tpu.memory_space<vmem>> -> memref<1x272xf32, #tpu.memory_space<vmem>>
          %swap3A_197 = tpu.memref_squeeze %swap3A_196 : memref<1x272xf32, #tpu.memory_space<vmem>> -> memref<272xf32, #tpu.memory_space<vmem>>
          %swap3A_198 = arith.constant 80 : index
          %swap3A_199 = tpu.vector_load %swap3A_197[%swap3A_198] {strides = array<i32>} : memref<272xf32, #tpu.memory_space<vmem>>, vector<16xf32>,
          tpu.vector_store %swap3A_197[%swap3A_198], %mul3A_194 {strides = array<i32>} : memref<272xf32, #tpu.memory_space<vmem>>, vector<16xf32>,
          %broadcast_in_dim3A_200 = arith.constant 259 : i32
          %broadcast_in_dim3A_201 = vector.broadcast %broadcast_in_dim3A_200 : i32 to vector<16xi32>
          %gather3A_202 = tpu.vector_load_idx %arg16[%broadcast_in_dim3A_125, %broadcast_in_dim3A_201] : memref<128x272xf32, #tpu.memory_space<vmem>>[vector<16xi32>, vector<16xi32>], vector<16xf32>,
          %get3A_203 = arith.constant 0 : i32
          %get3A_204 = tpu.memref_slice %arg16[%scan3A_103, %get3A_203] : memref<128x272xf32, #tpu.memory_space<vmem>> -> memref<1x272xf32, #tpu.memory_space<vmem>>
          %get3A_205 = tpu.memref_squeeze %get3A_204 : memref<1x272xf32, #tpu.memory_space<vmem>> -> memref<272xf32, #tpu.memory_space<vmem>>
          %get3A_206 = arith.constant 96 : index
          %get3A_207 = tpu.vector_load %get3A_205[%get3A_206] {strides = array<i32>} : memref<272xf32, #tpu.memory_space<vmem>>, vector<16xf32>,
          %mul3A_208 = arith.mulf %get3A_207, %gather3A_202 : vector<16xf32>
          %swap3A_209 = arith.constant 0 : i32
          %swap3A_210 = tpu.memref_slice %arg16[%scan3A_103, %swap3A_209] : memref<128x272xf32, #tpu.memory_space<vmem>> -> memref<1x272xf32, #tpu.memory_space<vmem>>
          %swap3A_211 = tpu.memref_squeeze %swap3A_210 : memref<1x272xf32, #tpu.memory_space<vmem>> -> memref<272xf32, #tpu.memory_space<vmem>>
          %swap3A_212 = arith.constant 96 : index
          %swap3A_213 = tpu.vector_load %swap3A_211[%swap3A_212] {strides = array<i32>} : memref<272xf32, #tpu.memory_space<vmem>>, vector<16xf32>,
          tpu.vector_store %swap3A_211[%swap3A_212], %mul3A_208 {strides = array<i32>} : memref<272xf32, #tpu.memory_space<vmem>>, vector<16xf32>,
          %get3A_214 = arith.constant 0 : i32
          %get3A_215 = tpu.memref_slice %arg16[%scan3A_103, %get3A_214] : memref<128x272xf32, #tpu.memory_space<vmem>> -> memref<1x272xf32, #tpu.memory_space<vmem>>
          %get3A_216 = tpu.memref_squeeze %get3A_215 : memref<1x272xf32, #tpu.memory_space<vmem>> -> memref<272xf32, #tpu.memory_space<vmem>>
          %get3A_217 = arith.constant 112 : index
          %get3A_218 = tpu.vector_load %get3A_216[%get3A_217] {strides = array<i32>} : memref<272xf32, #tpu.memory_space<vmem>>, vector<16xf32>,
          %mul3A_219 = arith.mulf %get3A_218, %gather3A_202 : vector<16xf32>
          %swap3A_220 = arith.constant 0 : i32
          %swap3A_221 = tpu.memref_slice %arg16[%scan3A_103, %swap3A_220] : memref<128x272xf32, #tpu.memory_space<vmem>> -> memref<1x272xf32, #tpu.memory_space<vmem>>
          %swap3A_222 = tpu.memref_squeeze %swap3A_221 : memref<1x272xf32, #tpu.memory_space<vmem>> -> memref<272xf32, #tpu.memory_space<vmem>>
          %swap3A_223 = arith.constant 112 : index
          %swap3A_224 = tpu.vector_load %swap3A_222[%swap3A_223] {strides = array<i32>} : memref<272xf32, #tpu.memory_space<vmem>>, vector<16xf32>,
          tpu.vector_store %swap3A_222[%swap3A_223], %mul3A_219 {strides = array<i32>} : memref<272xf32, #tpu.memory_space<vmem>>, vector<16xf32>,
          %broadcast_in_dim3A_225 = arith.constant 260 : i32
          %broadcast_in_dim3A_226 = vector.broadcast %broadcast_in_dim3A_225 : i32 to vector<16xi32>
          %gather3A_227 = tpu.vector_load_idx %arg16[%broadcast_in_dim3A_125, %broadcast_in_dim3A_226] : memref<128x272xf32, #tpu.memory_space<vmem>>[vector<16xi32>, vector<16xi32>], vector<16xf32>,
          %get3A_228 = arith.constant 0 : i32
          %get3A_229 = tpu.memref_slice %arg16[%scan3A_103, %get3A_228] : memref<128x272xf32, #tpu.memory_space<vmem>> -> memref<1x272xf32, #tpu.memory_space<vmem>>
          %get3A_230 = tpu.memref_squeeze %get3A_229 : memref<1x272xf32, #tpu.memory_space<vmem>> -> memref<272xf32, #tpu.memory_space<vmem>>
          %get3A_231 = arith.constant 128 : index
          %get3A_232 = tpu.vector_load %get3A_230[%get3A_231] {strides = array<i32>} : memref<272xf32, #tpu.memory_space<vmem>>, vector<16xf32>,
          %mul3A_233 = arith.mulf %get3A_232, %gather3A_227 : vector<16xf32>
          %swap3A_234 = arith.constant 0 : i32
          %swap3A_235 = tpu.memref_slice %arg16[%scan3A_103, %swap3A_234] : memref<128x272xf32, #tpu.memory_space<vmem>> -> memref<1x272xf32, #tpu.memory_space<vmem>>
          %swap3A_236 = tpu.memref_squeeze %swap3A_235 : memref<1x272xf32, #tpu.memory_space<vmem>> -> memref<272xf32, #tpu.memory_space<vmem>>
          %swap3A_237 = arith.constant 128 : index
          %swap3A_238 = tpu.vector_load %swap3A_236[%swap3A_237] {strides = array<i32>} : memref<272xf32, #tpu.memory_space<vmem>>, vector<16xf32>,
          tpu.vector_store %swap3A_236[%swap3A_237], %mul3A_233 {strides = array<i32>} : memref<272xf32, #tpu.memory_space<vmem>>, vector<16xf32>,
          %get3A_239 = arith.constant 0 : i32
          %get3A_240 = tpu.memref_slice %arg16[%scan3A_103, %get3A_239] : memref<128x272xf32, #tpu.memory_space<vmem>> -> memref<1x272xf32, #tpu.memory_space<vmem>>
          %get3A_241 = tpu.memref_squeeze %get3A_240 : memref<1x272xf32, #tpu.memory_space<vmem>> -> memref<272xf32, #tpu.memory_space<vmem>>
          %get3A_242 = arith.constant 144 : index
          %get3A_243 = tpu.vector_load %get3A_241[%get3A_242] {strides = array<i32>} : memref<272xf32, #tpu.memory_space<vmem>>, vector<16xf32>,
          %mul3A_244 = arith.mulf %get3A_243, %gather3A_227 : vector<16xf32>
          %swap3A_245 = arith.constant 0 : i32
          %swap3A_246 = tpu.memref_slice %arg16[%scan3A_103, %swap3A_245] : memref<128x272xf32, #tpu.memory_space<vmem>> -> memref<1x272xf32, #tpu.memory_space<vmem>>
          %swap3A_247 = tpu.memref_squeeze %swap3A_246 : memref<1x272xf32, #tpu.memory_space<vmem>> -> memref<272xf32, #tpu.memory_space<vmem>>
          %swap3A_248 = arith.constant 144 : index
          %swap3A_249 = tpu.vector_load %swap3A_247[%swap3A_248] {strides = array<i32>} : memref<272xf32, #tpu.memory_space<vmem>>, vector<16xf32>,
          tpu.vector_store %swap3A_247[%swap3A_248], %mul3A_244 {strides = array<i32>} : memref<272xf32, #tpu.memory_space<vmem>>, vector<16xf32>,
          %broadcast_in_dim3A_250 = arith.constant 261 : i32
          %broadcast_in_dim3A_251 = vector.broadcast %broadcast_in_dim3A_250 : i32 to vector<16xi32>
          %gather3A_252 = tpu.vector_load_idx %arg16[%broadcast_in_dim3A_125, %broadcast_in_dim3A_251] : memref<128x272xf32, #tpu.memory_space<vmem>>[vector<16xi32>, vector<16xi32>], vector<16xf32>,
          %get3A_253 = arith.constant 0 : i32
          %get3A_254 = tpu.memref_slice %arg16[%scan3A_103, %get3A_253] : memref<128x272xf32, #tpu.memory_space<vmem>> -> memref<1x272xf32, #tpu.memory_space<vmem>>
          %get3A_255 = tpu.memref_squeeze %get3A_254 : memref<1x272xf32, #tpu.memory_space<vmem>> -> memref<272xf32, #tpu.memory_space<vmem>>
          %get3A_256 = arith.constant 160 : index
          %get3A_257 = tpu.vector_load %get3A_255[%get3A_256] {strides = array<i32>} : memref<272xf32, #tpu.memory_space<vmem>>, vector<16xf32>,
          %mul3A_258 = arith.mulf %get3A_257, %gather3A_252 : vector<16xf32>
          %swap3A_259 = arith.constant 0 : i32
          %swap3A_260 = tpu.memref_slice %arg16[%scan3A_103, %swap3A_259] : memref<128x272xf32, #tpu.memory_space<vmem>> -> memref<1x272xf32, #tpu.memory_space<vmem>>
          %swap3A_261 = tpu.memref_squeeze %swap3A_260 : memref<1x272xf32, #tpu.memory_space<vmem>> -> memref<272xf32, #tpu.memory_space<vmem>>
          %swap3A_262 = arith.constant 160 : index
          %swap3A_263 = tpu.vector_load %swap3A_261[%swap3A_262] {strides = array<i32>} : memref<272xf32, #tpu.memory_space<vmem>>, vector<16xf32>,
          tpu.vector_store %swap3A_261[%swap3A_262], %mul3A_258 {strides = array<i32>} : memref<272xf32, #tpu.memory_space<vmem>>, vector<16xf32>,
          %get3A_264 = arith.constant 0 : i32
          %get3A_265 = tpu.memref_slice %arg16[%scan3A_103, %get3A_264] : memref<128x272xf32, #tpu.memory_space<vmem>> -> memref<1x272xf32, #tpu.memory_space<vmem>>
          %get3A_266 = tpu.memref_squeeze %get3A_265 : memref<1x272xf32, #tpu.memory_space<vmem>> -> memref<272xf32, #tpu.memory_space<vmem>>
          %get3A_267 = arith.constant 176 : index
          %get3A_268 = tpu.vector_load %get3A_266[%get3A_267] {strides = array<i32>} : memref<272xf32, #tpu.memory_space<vmem>>, vector<16xf32>,
          %mul3A_269 = arith.mulf %get3A_268, %gather3A_252 : vector<16xf32>
          %swap3A_270 = arith.constant 0 : i32
          %swap3A_271 = tpu.memref_slice %arg16[%scan3A_103, %swap3A_270] : memref<128x272xf32, #tpu.memory_space<vmem>> -> memref<1x272xf32, #tpu.memory_space<vmem>>
          %swap3A_272 = tpu.memref_squeeze %swap3A_271 : memref<1x272xf32, #tpu.memory_space<vmem>> -> memref<272xf32, #tpu.memory_space<vmem>>
          %swap3A_273 = arith.constant 176 : index
          %swap3A_274 = tpu.vector_load %swap3A_272[%swap3A_273] {strides = array<i32>} : memref<272xf32, #tpu.memory_space<vmem>>, vector<16xf32>,
          tpu.vector_store %swap3A_272[%swap3A_273], %mul3A_269 {strides = array<i32>} : memref<272xf32, #tpu.memory_space<vmem>>, vector<16xf32>,
          %broadcast_in_dim3A_275 = arith.constant 262 : i32
          %broadcast_in_dim3A_276 = vector.broadcast %broadcast_in_dim3A_275 : i32 to vector<16xi32>
          %gather3A_277 = tpu.vector_load_idx %arg16[%broadcast_in_dim3A_125, %broadcast_in_dim3A_276] : memref<128x272xf32, #tpu.memory_space<vmem>>[vector<16xi32>, vector<16xi32>], vector<16xf32>,
          %get3A_278 = arith.constant 0 : i32
          %get3A_279 = tpu.memref_slice %arg16[%scan3A_103, %get3A_278] : memref<128x272xf32, #tpu.memory_space<vmem>> -> memref<1x272xf32, #tpu.memory_space<vmem>>
          %get3A_280 = tpu.memref_squeeze %get3A_279 : memref<1x272xf32, #tpu.memory_space<vmem>> -> memref<272xf32, #tpu.memory_space<vmem>>
          %get3A_281 = arith.constant 192 : index
          %get3A_282 = tpu.vector_load %get3A_280[%get3A_281] {strides = array<i32>} : memref<272xf32, #tpu.memory_space<vmem>>, vector<16xf32>,
          %mul3A_283 = arith.mulf %get3A_282, %gather3A_277 : vector<16xf32>
          %swap3A_284 = arith.constant 0 : i32
          %swap3A_285 = tpu.memref_slice %arg16[%scan3A_103, %swap3A_284] : memref<128x272xf32, #tpu.memory_space<vmem>> -> memref<1x272xf32, #tpu.memory_space<vmem>>
          %swap3A_286 = tpu.memref_squeeze %swap3A_285 : memref<1x272xf32, #tpu.memory_space<vmem>> -> memref<272xf32, #tpu.memory_space<vmem>>
          %swap3A_287 = arith.constant 192 : index
          %swap3A_288 = tpu.vector_load %swap3A_286[%swap3A_287] {strides = array<i32>} : memref<272xf32, #tpu.memory_space<vmem>>, vector<16xf32>,
          tpu.vector_store %swap3A_286[%swap3A_287], %mul3A_283 {strides = array<i32>} : memref<272xf32, #tpu.memory_space<vmem>>, vector<16xf32>,
          %get3A_289 = arith.constant 0 : i32
          %get3A_290 = tpu.memref_slice %arg16[%scan3A_103, %get3A_289] : memref<128x272xf32, #tpu.memory_space<vmem>> -> memref<1x272xf32, #tpu.memory_space<vmem>>
          %get3A_291 = tpu.memref_squeeze %get3A_290 : memref<1x272xf32, #tpu.memory_space<vmem>> -> memref<272xf32, #tpu.memory_space<vmem>>
          %get3A_292 = arith.constant 208 : index
          %get3A_293 = tpu.vector_load %get3A_291[%get3A_292] {strides = array<i32>} : memref<272xf32, #tpu.memory_space<vmem>>, vector<16xf32>,
          %mul3A_294 = arith.mulf %get3A_293, %gather3A_277 : vector<16xf32>
          %swap3A_295 = arith.constant 0 : i32
          %swap3A_296 = tpu.memref_slice %arg16[%scan3A_103, %swap3A_295] : memref<128x272xf32, #tpu.memory_space<vmem>> -> memref<1x272xf32, #tpu.memory_space<vmem>>
          %swap3A_297 = tpu.memref_squeeze %swap3A_296 : memref<1x272xf32, #tpu.memory_space<vmem>> -> memref<272xf32, #tpu.memory_space<vmem>>
          %swap3A_298 = arith.constant 208 : index
          %swap3A_299 = tpu.vector_load %swap3A_297[%swap3A_298] {strides = array<i32>} : memref<272xf32, #tpu.memory_space<vmem>>, vector<16xf32>,
          tpu.vector_store %swap3A_297[%swap3A_298], %mul3A_294 {strides = array<i32>} : memref<272xf32, #tpu.memory_space<vmem>>, vector<16xf32>,
          %broadcast_in_dim3A_300 = arith.constant 263 : i32
          %broadcast_in_dim3A_301 = vector.broadcast %broadcast_in_dim3A_300 : i32 to vector<16xi32>
          %gather3A_302 = tpu.vector_load_idx %arg16[%broadcast_in_dim3A_125, %broadcast_in_dim3A_301] : memref<128x272xf32, #tpu.memory_space<vmem>>[vector<16xi32>, vector<16xi32>], vector<16xf32>,
          %get3A_303 = arith.constant 0 : i32
          %get3A_304 = tpu.memref_slice %arg16[%scan3A_103, %get3A_303] : memref<128x272xf32, #tpu.memory_space<vmem>> -> memref<1x272xf32, #tpu.memory_space<vmem>>
          %get3A_305 = tpu.memref_squeeze %get3A_304 : memref<1x272xf32, #tpu.memory_space<vmem>> -> memref<272xf32, #tpu.memory_space<vmem>>
          %get3A_306 = arith.constant 224 : index
          %get3A_307 = tpu.vector_load %get3A_305[%get3A_306] {strides = array<i32>} : memref<272xf32, #tpu.memory_space<vmem>>, vector<16xf32>,
          %mul3A_308 = arith.mulf %get3A_307, %gather3A_302 : vector<16xf32>
          %swap3A_309 = arith.constant 0 : i32
          %swap3A_310 = tpu.memref_slice %arg16[%scan3A_103, %swap3A_309] : memref<128x272xf32, #tpu.memory_space<vmem>> -> memref<1x272xf32, #tpu.memory_space<vmem>>
          %swap3A_311 = tpu.memref_squeeze %swap3A_310 : memref<1x272xf32, #tpu.memory_space<vmem>> -> memref<272xf32, #tpu.memory_space<vmem>>
          %swap3A_312 = arith.constant 224 : index
          %swap3A_313 = tpu.vector_load %swap3A_311[%swap3A_312] {strides = array<i32>} : memref<272xf32, #tpu.memory_space<vmem>>, vector<16xf32>,
          tpu.vector_store %swap3A_311[%swap3A_312], %mul3A_308 {strides = array<i32>} : memref<272xf32, #tpu.memory_space<vmem>>, vector<16xf32>,
          %get3A_314 = arith.constant 0 : i32
          %get3A_315 = tpu.memref_slice %arg16[%scan3A_103, %get3A_314] : memref<128x272xf32, #tpu.memory_space<vmem>> -> memref<1x272xf32, #tpu.memory_space<vmem>>
          %get3A_316 = tpu.memref_squeeze %get3A_315 : memref<1x272xf32, #tpu.memory_space<vmem>> -> memref<272xf32, #tpu.memory_space<vmem>>
          %get3A_317 = arith.constant 240 : index
          %get3A_318 = tpu.vector_load %get3A_316[%get3A_317] {strides = array<i32>} : memref<272xf32, #tpu.memory_space<vmem>>, vector<16xf32>,
          %mul3A_319 = arith.mulf %get3A_318, %gather3A_302 : vector<16xf32>
          %swap3A_320 = arith.constant 0 : i32
          %swap3A_321 = tpu.memref_slice %arg16[%scan3A_103, %swap3A_320] : memref<128x272xf32, #tpu.memory_space<vmem>> -> memref<1x272xf32, #tpu.memory_space<vmem>>
          %swap3A_322 = tpu.memref_squeeze %swap3A_321 : memref<1x272xf32, #tpu.memory_space<vmem>> -> memref<272xf32, #tpu.memory_space<vmem>>
          %swap3A_323 = arith.constant 240 : index
          %swap3A_324 = tpu.vector_load %swap3A_322[%swap3A_323] {strides = array<i32>} : memref<272xf32, #tpu.memory_space<vmem>>, vector<16xf32>,
          tpu.vector_store %swap3A_322[%swap3A_323], %mul3A_319 {strides = array<i32>} : memref<272xf32, #tpu.memory_space<vmem>>, vector<16xf32>,
          %scan3A_325 = arith.constant 0 : i32
          scf.yield %scan3A_325 : i32
        }
        %scan3A_101 = arith.constant 128 : i32
        "tpu.region"() ({
          %run_scoped3A = tpu.sem_alloc : memref<!tpu.dma_semaphore, #tpu.memory_space<semaphore_mem>>
          %dma_start3A_103 = arith.constant 0 : i32
          %dma_start3A_104 = tpu.memref_slice %arg15[%while3A_71, %dma_start3A_103] : memref<8x128xi32, #tpu.memory_space<vmem>> -> memref<1x128xi32, #tpu.memory_space<vmem>>
          %dma_start3A_105 = tpu.memref_squeeze %dma_start3A_104 : memref<1x128xi32, #tpu.memory_space<vmem>> -> memref<128xi32, #tpu.memory_space<vmem>>
          %dma_start3A_106 = arith.constant 0 : i32
          %dma_start3A_107 = arith.constant 0 : i32
          %dma_start3A_108 = tpu.memref_slice %arg9[%dma_start3A_106, %dma_start3A_107] : memref<5120x272xf32, #tpu.memory_space<vmem_shared>> -> memref<5120x272xf32, #tpu.memory_space<vmem_shared>>
          tpu.enqueue_indirect_dma source(%arg16 : memref<128x272xf32, #tpu.memory_space<vmem>>) target(%dma_start3A_108 : memref<5120x272xf32, #tpu.memory_space<vmem_shared>>) offsets(%dma_start3A_105 : memref<128xi32, #tpu.memory_space<vmem>>) semaphore(%run_scoped3A : memref<!tpu.dma_semaphore, #tpu.memory_space<semaphore_mem>>) {add = true}
          %dma_wait3A_109 = arith.constant 0 : i32
          %dma_wait3A_110 = tpu.memref_slice %arg15[%while3A_71, %dma_wait3A_109] : memref<8x128xi32, #tpu.memory_space<vmem>> -> memref<1x128xi32, #tpu.memory_space<vmem>>
          %dma_wait3A_111 = tpu.memref_squeeze %dma_wait3A_110 : memref<1x128xi32, #tpu.memory_space<vmem>> -> memref<128xi32, #tpu.memory_space<vmem>>
          %dma_wait3A_112 = arith.constant 0 : i32
          %dma_wait3A_113 = arith.constant 0 : i32
          %dma_wait3A_114 = tpu.memref_slice %arg9[%dma_wait3A_112, %dma_wait3A_113] : memref<5120x272xf32, #tpu.memory_space<vmem_shared>> -> memref<5120x272xf32, #tpu.memory_space<vmem_shared>>
          tpu.wait_indirect_dma semaphore(%run_scoped3A : memref<!tpu.dma_semaphore, #tpu.memory_space<semaphore_mem>>) src(%arg16 : memref<128x272xf32, #tpu.memory_space<vmem>>) dst(%dma_wait3A_114 : memref<5120x272xf32, #tpu.memory_space<vmem_shared>>)
          tpu.yield
        }) : () -> ()
        %while3A_102 = arith.constant 0 : i32
        scf.yield %while3A_102 : i32
      }
      %scan3A_70 = arith.constant 0 : i32
      scf.yield %scan3A_70 : i32
    }
    %scan3A_14 = arith.constant 10 : i32
    %barrier3A_15 = arith.constant 0 : index
    tpu.barrier barrier_id(%barrier3A_15)
    %mul3A_16 = arith.constant 320 : i32
    %mul3A_17 = arith.muli %arg1, %mul3A_16 : i32
    %mul3A_18 = arith.constant 320 : i32
    %mul3A_19 = arith.muli %arg1, %mul3A_18 : i32
    "tpu.region"() ({
      %run_scoped3A = tpu.sem_alloc : memref<!tpu.dma_semaphore, #tpu.memory_space<semaphore_mem>>
      %dma_start3A = arith.constant 0 : i32
      %dma_start3A_20 = tpu.memref_slice %arg8[%arg0, %mul3A_19, %dma_start3A] : memref<2x5120x272xf32, #tpu.memory_space<hbm>> -> memref<1x320x272xf32, #tpu.memory_space<hbm>>
      %dma_start3A_21 = tpu.memref_squeeze %dma_start3A_20 : memref<1x320x272xf32, #tpu.memory_space<hbm>> -> memref<320x272xf32, #tpu.memory_space<hbm>>
      %dma_start3A_22 = arith.constant 0 : i32
      %dma_start3A_23 = tpu.memref_slice %arg9[%mul3A_17, %dma_start3A_22] : memref<5120x272xf32, #tpu.memory_space<vmem_shared>> -> memref<320x272xf32, #tpu.memory_space<vmem_shared>>
      tpu.enqueue_dma source(%dma_start3A_23 : memref<320x272xf32, #tpu.memory_space<vmem_shared>>) target(%dma_start3A_21 : memref<320x272xf32, #tpu.memory_space<hbm>>) target_semaphore(%run_scoped3A : memref<!tpu.dma_semaphore, #tpu.memory_space<semaphore_mem>>)
      %dma_wait3A = arith.constant 0 : i32
      %dma_wait3A_24 = tpu.memref_slice %arg8[%arg0, %mul3A_19, %dma_wait3A] : memref<2x5120x272xf32, #tpu.memory_space<hbm>> -> memref<1x320x272xf32, #tpu.memory_space<hbm>>
      %dma_wait3A_25 = tpu.memref_squeeze %dma_wait3A_24 : memref<1x320x272xf32, #tpu.memory_space<hbm>> -> memref<320x272xf32, #tpu.memory_space<hbm>>
      %dma_wait3A_26 = arith.constant 0 : i32
      %dma_wait3A_27 = tpu.memref_slice %arg9[%mul3A_17, %dma_wait3A_26] : memref<5120x272xf32, #tpu.memory_space<vmem_shared>> -> memref<320x272xf32, #tpu.memory_space<vmem_shared>>
      tpu.wait_dma2 semaphore(%run_scoped3A : memref<!tpu.dma_semaphore, #tpu.memory_space<semaphore_mem>>) src(%dma_wait3A_27 : memref<320x272xf32, #tpu.memory_space<vmem_shared>>) dst(%dma_wait3A_25 : memref<320x272xf32, #tpu.memory_space<hbm>>)
      tpu.yield
    }) : () -> ()
    return
  }
}

module attributes {stable_mosaic.version = 14 : i64} {
  func.func @_mm_body(%arg0: i32, %arg1: i32, %arg2: memref<512x256xf32, #tpu.memory_space<vmem>>, %arg3: memref<1x256x272xf32, #tpu.memory_space<vmem>>, %arg4: memref<1x256x16xf32, #tpu.memory_space<vmem>>, %arg5: memref<512x272xf32, #tpu.memory_space<vmem>>, %arg6: memref<512x16xf32, #tpu.memory_space<vmem>>) attributes {dimension_semantics = [#tpu.dimension_semantics<arbitrary>, #tpu.dimension_semantics<arbitrary>], iteration_bounds = array<i64: 8, 20>, scalar_prefetch = 0 : i64, scratch_operands = 0 : i64, tpu.core_type = #tpu.core_type<tc>, window_params = [{transform_indices = @transform_0, window_bounds = array<i64: 512, 256>}, {transform_indices = @transform_1, window_bounds = array<i64: 1, 256, 272>}, {transform_indices = @transform_2, window_bounds = array<i64: 1, 256, 16>}, {transform_indices = @transform_3, window_bounds = array<i64: 512, 272>}, {transform_indices = @transform_4, window_bounds = array<i64: 512, 16>}]} {
    %get3A = arith.constant 0 : index
    %get3A_0 = arith.constant 0 : index
    %get3A_1 = vector.load %arg2[%get3A, %get3A_0] : memref<512x256xf32, #tpu.memory_space<vmem>>, vector<512x256xf32>
    %get3A_2 = arith.constant 0 : index
    %get3A_3 = arith.constant 0 : index
    %get3A_4 = arith.constant 0 : index
    %get3A_5 = vector.load %arg3[%get3A_2, %get3A_3, %get3A_4] : memref<1x256x272xf32, #tpu.memory_space<vmem>>, vector<1x256x272xf32>
    %get3A_6 = vector.shape_cast %get3A_5 : vector<1x256x272xf32> to vector<256x272xf32>
    %dot_general3A = arith.constant dense<0.000000e+00> : vector<512x272xf32>
    %dot_general3A_7 = tpu.matmul %get3A_1, %get3A_6, %dot_general3A {dimension_numbers = #tpu.dot_dimension_numbers<[1], [0], [0], [1], [0, 0, 1, 1], [], []>, transpose_lhs_hint = false} : vector<512x256xf32>, vector<256x272xf32>, vector<512x272xf32> -> vector<512x272xf32>
    %swap3A = arith.constant 0 : index
    %swap3A_8 = arith.constant 0 : index
    %swap3A_9 = vector.load %arg5[%swap3A, %swap3A_8] : memref<512x272xf32, #tpu.memory_space<vmem>>, vector<512x272xf32>
    tpu.vector_store %arg5[%swap3A, %swap3A_8], %dot_general3A_7 {strides = array<i32>} : memref<512x272xf32, #tpu.memory_space<vmem>>, vector<512x272xf32>,
    %get3A_10 = arith.constant 0 : index
    %get3A_11 = arith.constant 0 : index
    %get3A_12 = arith.constant 0 : index
    %get3A_13 = vector.load %arg4[%get3A_10, %get3A_11, %get3A_12] : memref<1x256x16xf32, #tpu.memory_space<vmem>>, vector<1x256x16xf32>
    %get3A_14 = vector.shape_cast %get3A_13 : vector<1x256x16xf32> to vector<256x16xf32>
    %dot_general3A_15 = arith.constant dense<0.000000e+00> : vector<512x16xf32>
    %dot_general3A_16 = tpu.matmul %get3A_1, %get3A_14, %dot_general3A_15 {dimension_numbers = #tpu.dot_dimension_numbers<[1], [0], [0], [1], [0, 0, 1, 1], [], []>, transpose_lhs_hint = false} : vector<512x256xf32>, vector<256x16xf32>, vector<512x16xf32> -> vector<512x16xf32>
    %swap3A_17 = arith.constant 0 : index
    %swap3A_18 = arith.constant 0 : index
    %swap3A_19 = vector.load %arg6[%swap3A_17, %swap3A_18] : memref<512x16xf32, #tpu.memory_space<vmem>>, vector<512x16xf32>
    tpu.vector_store %arg6[%swap3A_17, %swap3A_18], %dot_general3A_16 {strides = array<i32>} : memref<512x16xf32, #tpu.memory_space<vmem>>, vector<512x16xf32>,
    return
  }
  func.func @transform_0(%arg0: i32, %arg1: i32) -> (i32, i32) {
    %c0_i32 = arith.constant 0 : i32
    %c0_i32_0 = arith.constant 0 : i32
    return %arg1, %c0_i32 : i32, i32
  }
  func.func @transform_1(%arg0: i32, %arg1: i32) -> (i32, i32, i32) {
    %c0_i32 = arith.constant 0 : i32
    %c0_i32_0 = arith.constant 0 : i32
    %c0_i32_1 = arith.constant 0 : i32
    return %arg0, %c0_i32, %c0_i32_0 : i32, i32, i32
  }
  func.func @transform_2(%arg0: i32, %arg1: i32) -> (i32, i32, i32) {
    %c0_i32 = arith.constant 0 : i32
    %c0_i32_0 = arith.constant 0 : i32
    %c0_i32_1 = arith.constant 0 : i32
    return %arg0, %c0_i32, %c0_i32_0 : i32, i32, i32
  }
  func.func @transform_3(%arg0: i32, %arg1: i32) -> (i32, i32) {
    %mul3A = arith.constant 20 : i32
    %mul3A_0 = arith.muli %arg0, %mul3A : i32
    %add3A = arith.addi %mul3A_0, %arg1 : i32
    %c0_i32 = arith.constant 0 : i32
    %c0_i32_1 = arith.constant 0 : i32
    return %add3A, %c0_i32 : i32, i32
  }
  func.func @transform_4(%arg0: i32, %arg1: i32) -> (i32, i32) {
    %mul3A = arith.constant 20 : i32
    %mul3A_0 = arith.muli %arg0, %mul3A : i32
    %add3A = arith.addi %mul3A_0, %arg1 : i32
    %c0_i32 = arith.constant 0 : i32
    %c0_i32_1 = arith.constant 0 : i32
    return %add3A, %c0_i32 : i32, i32
  }
}

module attributes {stable_mosaic.version = 14 : i64} {
  func.func @_norm_body(%arg0: i32, %arg1: i32, %arg2: memref<1x512x272xf32, #tpu.memory_space<vmem>>, %arg3: memref<8x256xf32, #tpu.memory_space<vmem>>, %arg4: memref<1x256xf32, #tpu.memory_space<vmem>>, %arg5: memref<1x512x256xf32, #tpu.memory_space<vmem>>) attributes {dimension_semantics = [#tpu.dimension_semantics<arbitrary>, #tpu.dimension_semantics<arbitrary>], iteration_bounds = array<i64: 2, 10>, scalar_prefetch = 0 : i64, scratch_operands = 0 : i64, tpu.core_type = #tpu.core_type<tc>, window_params = [{transform_indices = @transform_0, window_bounds = array<i64: 1, 512, 272>}, {pipeline_mode = #tpu.pipeline_mode<synchronous>, transform_indices = @transform_1, window_bounds = array<i64: 8, 256>}, {pipeline_mode = #tpu.pipeline_mode<synchronous>, transform_indices = @transform_2, window_bounds = array<i64: 1, 256>}, {transform_indices = @transform_3, window_bounds = array<i64: 1, 512, 256>}]} {
    %get3A = arith.constant 0 : index
    %get3A_0 = arith.constant 0 : index
    %get3A_1 = arith.constant 0 : index
    %get3A_2 = vector.load %arg2[%get3A, %get3A_0, %get3A_1] : memref<1x512x272xf32, #tpu.memory_space<vmem>>, vector<1x512x272xf32>
    %get3A_3 = vector.shape_cast %get3A_2 : vector<1x512x272xf32> to vector<512x272xf32>
    %slice3A = vector.extract_strided_slice %get3A_3 {offsets = [0, 0], sizes = [512, 256], strides = [1, 1]} : vector<512x272xf32> to vector<512x256xf32>
    %slice3A_4 = vector.extract_strided_slice %get3A_3 {offsets = [0, 256], sizes = [512, 8], strides = [1, 1]} : vector<512x272xf32> to vector<512x8xf32>
    %add3A = arith.constant 1.000000e-16 : f32
    %add3A_5 = vector.broadcast %add3A : f32 to vector<512x8xf32>
    %add3A_6 = arith.addf %slice3A_4, %add3A_5 : vector<512x8xf32>
    %div3A = arith.constant 1.000000e+00 : f32
    %div3A_7 = vector.broadcast %div3A : f32 to vector<512x8xf32>
    %div3A_8 = arith.divf %div3A_7, %add3A_6 : vector<512x8xf32>
    %get3A_9 = arith.constant 0 : index
    %get3A_10 = arith.constant 0 : index
    %get3A_11 = vector.load %arg3[%get3A_9, %get3A_10] : memref<8x256xf32, #tpu.memory_space<vmem>>, vector<8x256xf32>
    %dot_general3A = arith.constant dense<0.000000e+00> : vector<512x256xf32>
    %dot_general3A_12 = tpu.matmul %div3A_8, %get3A_11, %dot_general3A {dimension_numbers = #tpu.dot_dimension_numbers<[1], [0], [0], [1], [0, 0, 1, 1], [], []>, transpose_lhs_hint = false} : vector<512x8xf32>, vector<8x256xf32>, vector<512x256xf32> -> vector<512x256xf32>
    %mul3A = arith.mulf %slice3A, %dot_general3A_12 : vector<512x256xf32>
    %get3A_13 = arith.constant 0 : index
    %get3A_14 = arith.constant 0 : index
    %get3A_15 = vector.load %arg4[%get3A_13, %get3A_14] : memref<1x256xf32, #tpu.memory_space<vmem>>, vector<1x256xf32>
    %add3A_16 = vector.broadcast %get3A_15 : vector<1x256xf32> to vector<512x256xf32>
    %add3A_17 = arith.addf %mul3A, %add3A_16 : vector<512x256xf32>
    %swap3A = arith.constant 0 : index
    %swap3A_18 = arith.constant 0 : index
    %swap3A_19 = arith.constant 0 : index
    %swap3A_20 = vector.load %arg5[%swap3A, %swap3A_18, %swap3A_19] : memref<1x512x256xf32, #tpu.memory_space<vmem>>, vector<1x512x256xf32>
    %swap3A_21 = vector.shape_cast %swap3A_20 : vector<1x512x256xf32> to vector<512x256xf32>
    %swap3A_22 = vector.shape_cast %add3A_17 : vector<512x256xf32> to vector<1x512x256xf32>
    tpu.vector_store %arg5[%swap3A, %swap3A_18, %swap3A_19], %swap3A_22 {strides = array<i32>} : memref<1x512x256xf32, #tpu.memory_space<vmem>>, vector<1x512x256xf32>,
    return
  }
  func.func @transform_0(%arg0: i32, %arg1: i32) -> (i32, i32, i32) {
    %c0_i32 = arith.constant 0 : i32
    %c0_i32_0 = arith.constant 0 : i32
    return %arg0, %arg1, %c0_i32 : i32, i32, i32
  }
  func.func @transform_1(%arg0: i32, %arg1: i32) -> (i32, i32) {
    %c0_i32 = arith.constant 0 : i32
    %c0_i32_0 = arith.constant 0 : i32
    %c0_i32_1 = arith.constant 0 : i32
    return %c0_i32, %c0_i32_0 : i32, i32
  }
  func.func @transform_2(%arg0: i32, %arg1: i32) -> (i32, i32) {
    %c0_i32 = arith.constant 0 : i32
    %c0_i32_0 = arith.constant 0 : i32
    %c0_i32_1 = arith.constant 0 : i32
    return %c0_i32, %c0_i32_0 : i32, i32
  }
  func.func @transform_3(%arg0: i32, %arg1: i32) -> (i32, i32, i32) {
    %c0_i32 = arith.constant 0 : i32
    %c0_i32_0 = arith.constant 0 : i32
    return %arg0, %arg1, %c0_i32 : i32, i32, i32
  }
}

</mosaic_0001>

<sc_bundles>
// kernel: kernel.5.cloned.1.call-start
scs
__scs_entry_jumppad:
0x0: {  	(pc) =	sbr.rel $0x88, $3  }
0x1: {  	(tag) =	ssettag $0x0;
	lr =	simm.s32 $0x1  }
0x2: {  	[smem:$0x3F99] =	sst lr;
	_ =	strace $0xD0000000  }
0x3: {  	_ = 	snop  }
0x4: {  	_ = 	snop  }
0x5: {  	_ = 	snop  }
0x6: {  	_ = 	snop  }
0x7: {  	_ = 	snop  }
__scs_overlays_trampoline_lowered:
0x8: {  	[smem:$0x3FA8] =	sst s0  }
0x9: {  	[smem:$0x3FA9] =	sst s1  }
0xa: {  	[smem:$0x3FAA] =	sst s2  }
0xb: {  	[smem:$0x3FAB] =	sst s3  }
0xc: {  	[smem:$0x3FAC] =	sst s4  }
0xd: {  	[smem:$0x3FAD] =	sst s5  }
0xe: {  	[smem:$0x3FAE] =	sst s6  }
0xf: {  	[smem:$0x3FAF] =	sst s7  }
0x10: {  	[smem:$0x3FB0] =	sst s8  }
0x11: {  	[smem:$0x3FB1] =	sst s9;
	s0 =	simm.s32 @!p0 $0x0  }
0x12: {  	s1 =	sld [smem:$0x3F97];
	s0 =	simm.s32 @p0 $0x1  }
0x13: {  	[smem:$0x3FB2] =	sst s0;
	s0 =	simm.s32 @!p1 $0x0  }
0x14: {  	s2 =	sld [smem:$0x3F96];
	s0 =	simm.s32 @p1 $0x1  }
0x15: {  	[smem:$0x3FB3] =	sst s0;
	s0 =	simm.s32 @!p2 $0x0  }
0x16: {  	s3 =	sld [smem:$0x3FDB];
	s0 =	simm.s32 @p2 $0x1  }
0x17: {  	s4 =	simm.s32 $0x1BF5;
	[smem:$0x3FB5] =	sst s0  }
0x18: {  	s0 =	sld [smem:$0x3F98];
	_ =	swait.ge [sflag:s4], $0x0  }
0x19: {  	s7 =	sld [smem:$0x3F99]  }
0x1a: {  	s8 =	sadd.s32 $0xFFFFE003, lr  }
0x1b: {  	s9 =	sadd.s32 $0xFFFFFEF7, lr;
	s5 =	simm.s32 $0xFFFFFFFF;
	p2 =	slt.u32 s8, $0xFFFFF086  }
0x1c: {  	p1 =	slt.u32 s9, $0xF7A;
	s5 =	simm.s32 @!p2 $0x0  }
0x1d: {  	s5 =	simm.s32 @p1 $0x1;
	p0 =	seq.s32 s7, s2  }
0x1e: {  	s7 =	smul.u32 @!p0 $0xF7A, s2;
	p2 =	seq.s32 @!p0 s5, $0x0  }
0x1f: {  	s9 =	smul.u32 $0xF7A, s1;
	s8 =	simm.s32 @!p0 $0x1BF5;
	p2 =	por !p2, p0  }
0x20: {  	[sflag:s8] =	ssyncset.s32 @!p0 $0xFFFFF086;
	s6 =	sadd.s32 @!p0 s3, s7;
	s7 =	simm.s32 @!p0 $0x108  }
0x21: {  	s3 =	sadd.s32 s3, s9;
	s6 =	sadd.s32 @!p0 $0x88, s6;
	s7 =	simm.s32 @p2 $0x1082  }
0x22: {  	[simem:s7], [sflag:s8] =	dma.local @!p0 [hbm:s6], $0xF7A  }
0x23: {  	s9 =	sor.u32 $0xD0000000, s2;
	s6 =	simm.s32 $0x108;
	_ =	swait.ge @!p0 [sflag:s8], $0x0  }
0x24: {  	s3 =	sadd.s32 $0x88, s3;
	s6 =	simm.s32 @!p1 $0x1082;
	[sflag:s4] =	ssyncset.s32 $0xFFFFF086  }
0x25: {  	[simem:s6], [sflag:s4] =	dma.local [hbm:s3], $0xF7A  }
0x26: {  	[smem:$0x3F99] =	sst s1;
	(tag) =	ssettag s2;
	_ =	strace s9  }
0x27: {  	s1 =	sld [smem:$0x3FA9]  }
0x28: {  	s2 =	sld [smem:$0x3FAA]  }
0x29: {  	s4 =	sld [smem:$0x3FAC]  }
0x2a: {  	p0 =	seq.s32 s5, $0x0;
	s5 =	sld [smem:$0x3FAD]  }
0x2b: {  	s6 =	sld [smem:$0x3FAE]  }
0x2c: {  	s7 =	sld [smem:$0x3FAF]  }
0x2d: {  	s3 =	simm.s32 $0x108;
	s8 =	sld [smem:$0x3FB0]  }
0x2e: {  	s3 =	simm.s32 @!p0 $0x1082;
	s9 =	sld [smem:$0x3FB1]  }
0x2f: {  	lr =	sadd.s32 s0, s3;
	s0 =	sld [smem:$0x3FA8]  }
0x30: {  	s3 =	sld [smem:$0x3FAB]  }
0x31: {  	[smem:$0x3FB4] =	sst s10  }
0x32: {  	s10 =	sld [smem:$0x3FB2];
	_ =	sdelay $0x3  }
0x33: {  	p0 =	seq.s32 s10, $0x1;
	s10 =	sld [smem:$0x3FB4];
	_ =	sdelay $0x3  }
0x34: {  	[smem:$0x3FB4] =	sst s10  }
0x35: {  	s10 =	sld [smem:$0x3FB3];
	_ =	sdelay $0x3  }
0x36: {  	p1 =	seq.s32 s10, $0x1;
	s10 =	sld [smem:$0x3FB4];
	_ =	sdelay $0x3  }
0x37: {  	[smem:$0x3FB4] =	sst s10  }
0x38: {  	s10 =	sld [smem:$0x3FB5]  }
0x39: {  	_ = 	snop;
	(pc) =	sbr.ind lr, $3  }
0x3a: {  	_ = 	snop  }
0x3b: {  	_ = 	snop  }
0x3c: {  	p2 =	seq.s32 s10, $0x1;
	s10 =	sld [smem:$0x3FB4]  }
0x3d: {  	_ =	shalt  }
0x3e: {  	_ =	shalt  }
0x3f: {  	_ =	shalt  }
0x40: {  	_ =	shalt  }
0x41: {  	_ =	shalt  }
0x42: {  	_ =	shalt  }
0x43: {  	_ =	shalt  }
0x44: {  	_ =	shalt  }
0x45: {  	_ =	shalt  }
0x46: {  	_ =	shalt  }
0x47: {  	_ =	shalt  }
0x48: {  	_ =	shalt  }
0x49: {  	_ =	shalt  }
0x4a: {  	_ =	shalt  }
0x4b: {  	_ =	shalt  }
0x4c: {  	_ =	shalt  }
0x4d: {  	_ =	shalt  }
0x4e: {  	_ =	shalt  }
0x4f: {  	_ =	shalt  }
0x50: {  	_ =	shalt  }
0x51: {  	_ =	shalt  }
0x52: {  	_ =	shalt  }
0x53: {  	_ =	shalt  }
0x54: {  	_ =	shalt  }
0x55: {  	_ =	shalt  }
0x56: {  	_ =	shalt  }
0x57: {  	_ =	shalt  }
0x58: {  	_ =	shalt  }
0x59: {  	_ =	shalt  }
0x5a: {  	_ =	shalt  }
0x5b: {  	_ =	shalt  }
0x5c: {  	_ =	shalt  }
0x5d: {  	_ =	shalt  }
0x5e: {  	_ =	shalt  }
0x5f: {  	_ =	shalt  }
0x60: {  	_ =	shalt  }
0x61: {  	_ =	shalt  }
0x62: {  	_ =	shalt  }
0x63: {  	_ =	shalt  }
0x64: {  	_ =	shalt  }
0x65: {  	_ =	shalt  }
0x66: {  	_ =	shalt  }
0x67: {  	_ =	shalt  }
0x68: {  	_ =	shalt  }
0x69: {  	_ =	shalt  }
0x6a: {  	_ =	shalt  }
0x6b: {  	_ =	shalt  }
0x6c: {  	_ =	shalt  }
0x6d: {  	_ =	shalt  }
0x6e: {  	_ =	shalt  }
0x6f: {  	_ =	shalt  }
0x70: {  	_ =	shalt  }
0x71: {  	_ =	shalt  }
0x72: {  	_ =	shalt  }
0x73: {  	_ =	shalt  }
0x74: {  	_ =	shalt  }
0x75: {  	_ =	shalt  }
0x76: {  	_ =	shalt  }
0x77: {  	_ =	shalt  }
0x78: {  	_ =	shalt  }
0x79: {  	_ =	shalt  }
0x7a: {  	_ =	shalt  }
0x7b: {  	_ =	shalt  }
0x7c: {  	_ =	shalt  }
0x7d: {  	_ =	shalt  }
0x7e: {  	_ =	shalt  }
0x7f: {  	_ =	shalt  }
0x80: {  	_ =	shalt  }
0x81: {  	_ =	shalt  }
0x82: {  	_ =	shalt  }
0x83: {  	_ =	shalt  }
0x84: {  	_ =	shalt  }
0x85: {  	_ =	shalt  }
0x86: {  	_ =	shalt  }
0x87: {  	_ =	shalt  }
.Lfunc_end0:
.L_simem_size_0:
called_computation_lowered:
.L_overlay_start_0:
0x88: {  	s2 =	sld [smem:$0x3FD9]  }
0x89: {  	s3 =	sld [smem:$0x3FFE];
	_ =	sdelay $0x1  }
0x8a: {  	s1 =	srdreg.scid  }
0x8b: {  	s0 =	sand.u32 $0x1, s1  }
0x8c: {  	s17 =	sshll.u32 s0, $0xA;
	s2 =	sadd.s32 s3, s2  }
0x8d: {  	s2 =	sadd.s32 s2, s17  }
0x8e: {  	[smem:$0x3FC0] =	sst s2  }
0x8f: {  	_ = 	snop  }
0x90: {  	s2 =	sld [smem:$0x3FD0];
	(tm) =	ssettm $0x1  }
0x91: {  	s18 =	sld [smem:$0x3FFB];
	_ =	sdelay $0x3  }
0x92: {  	_ =	strace s18  }
0x93: {  	s3 =	sld [smem:$0x3FFC];
	_ =	sdelay $0x3  }
0x94: {  	_ =	strace s3  }
0x95: {  	s3 =	sld [smem:$0x3FFD];
	_ =	sdelay $0x3  }
0x96: {  	_ =	strace s3  }
0x97: {  	_ =	strace $0x8FFFFFFF  }
0x98: {  	s19 =	sld [smem:$0x3FDB];
	_ =	sdelay $0x1  }
0x99: {  	s4 =	simm.s32 $_scs_section_size  }
0x9a: {  	s5 =	simm.s32 $_size__tile_overlayer_lowered;
	s6 =	simm.s32 $_tile_overlayer_lowered  }
0x9b: {  	s22 =	simm.s32 $0x1BFF;
	s21 =	sshll.u32 s6, $0x1;
	s3 =	sadd.s32 s4, s19  }
0x9c: {  	s7 =	simm.s32 $0x0;
	s20 =	sshll.u32 s5, $0x1;
	s5 =	sadd.s32 s21, s3  }
0x9d: {  	[timem:s7], [sflag:s22] =	dma.local [hbm:s5], s20  }
0x9e: {  	_ =	swait.ge [sflag:s22], s20  }
0x9f: {  	s4 =	ssub.s32 $0x0, s20;
	[sflag:s22] =	ssyncset.done $0x0  }
0xa0: {  	[sflag:s22] =	ssyncadd.s32 s4;
	_ =	sdelay $0x1  }
0xa1: {  	s23 =	simm.s32 $0x1B8B  }
0xa2: {  	_ =	swait.ge [sflag:s23], $0x1  }
0xa3: {  	[sflag:s23] =	ssyncset.done $0x0  }
0xa4: {  	s25 =	simm.s32 $0x1B8E;
	s24 =	sld [smem:$0x3FFE];
	[sflag:s23] =	ssyncadd.s32 $0xFFFFFFFF  }
0xa5: {  	s26 =	simm.s32 $execute0_lowered;
	[smem:$0x3FD2] =	sst s25  }
0xa6: {  	s5 =	sshll.u32 s26, $0x1;
	_ =	strace $0x80000046;
	[dreg:$0x1] =	wrdreg $0xFFFFFFFF  }
0xa7: {  	s28 =	simm.s32 $_size_execute0_lowered;
	s3 =	sadd.s32 s3, s5;
	[dreg:$0x0] =	wrdreg $0x0  }
0xa8: {  	s5 =	sshll.u32 s28, $0x1;
	[dreg:$0x2] =	wrdreg s3  }
0xa9: {  	[dreg:$0x3] =	wrdreg s5  }
0xaa: {  	[dreg:$0x4] =	wrdreg $0xC0  }
0xab: {  	_ =	task [dreg:s7], $0x5FFFF  }
0xac: {  	[dreg:$0x1] =	wrdreg $0xFFFFFFFF  }
0xad: {  	[dreg:$0x0] =	wrdreg $0x60  }
0xae: {  	[dreg:$0x2] =	wrdreg s24  }
0xaf: {  	[dreg:$0x3] =	wrdreg s2  }
0xb0: {  	[dreg:$0x4] =	wrdreg $0x0  }
0xb1: {  	[dreg:$0x5] =	wrdreg $0x9  }
0xb2: {  	_ =	task.clear_ibuf [dreg:s7], $0x6FFFF;
	_ =	strace $0x90000046  }
0xb3: {  	s29 =	simm.s32 $0x9;
	_ =	strace $0x80000048  }
0xb4: {  	_ =	swait.ge [sflag:s29], $0x1  }
0xb5: {  	[sflag:s29] =	ssyncadd.s32 $0xFFFFFFFF  }
0xb6: {  	_ =	strace $0x90000048  }
0xb7: {  	_ =	sfence  }
0xb8: {  	s30 =	sld [smem:$0x0];
	_ =	sdelay $0x2  }
0xb9: {  	s31 =	sshll.u32 s1, $0xD;
	s1 =	sshrl.u32 s1, $0x2  }
0xba: {  	s3 =	sand.u32 $0x4000, s31;
	s1 =	sadd.s32 s1, s30  }
0xbb: {  	s0 =	sor.u32 s3, s0;
	s1 =	sshll.u32 s1, $0x11  }
0xbc: {  	s0 =	sor.u32 s1, s0  }
0xbd: {  	s0 =	sadd.s32 $0x8F2B, s0  }
0xbe: {  	[sflag:s0] =	ssyncadd.remote.s32 $0x1  }
0xbf: {  	_ =	sfence.sel $0xFFFF  }
0xc0: {  	[dreg:$0x0] =	wrdreg $0xFFFFFFFF;
	(pc) =	sbr.abs _section_cstart, $3  }
0xc1: {  	[dreg:$0x1] =	wrdreg $0xFFFFFFFF  }
0xc2: {  	_ =	task.clear_ibuf [dreg:s7], $0x2FFFF;
	_ =	strace $0x9FFFFFFF  }
0xc3: {  	(tm) =	ssettm $0x7FFFFFFF  }
tec
execute0_lowered:
.L_overlay_start_1:
0x0: {  	(tag) =	ssettag $0x1  }
0x1: {  	s0 =	rddreg [dreg:$0x0]  }
0x2: {  	s1 =	rddreg [dreg:$0x1]  }
0x3: {  	s2 =	rddreg [dreg:$0x2];
	s4 =	simm.s32 $0x0;
	s3 =	srdreg.scid  }
0x4: {  	s13 =	stileid.u32;
	s15 =	simm.s32 $0x3;
	s16 =	simm.s32 $0x15400  }
0x5: {  	s17 =	simm.s32 $0x15800;
	s18 =	simm.s32 $0x15C00;
	s19 =	simm.s32 $0x16000  }
0x6: {  	s20 =	simm.s32 $0x16400;
	s21 =	simm.s32 $0x16800;
	s22 =	simm.s32 $0x1  }
0x7: {  	s24 =	simm.s32 $0x16C00;
	s25 =	simm.s32 $0x2;
	s29 =	simm.s32 $0x0  }
0x8: {  	[smem:$0x7FF] =	sst s4;
	s3 =	sand.u32 $0x1, s3;
	s9 =	smul.u32 $0x15400, s13  }
0x9: {  	s5 =	sadd.s32 $0x501A00, s0;
	s6 =	sadd.s32 $0xBA00, s0;
	s7 =	sadd.s32 $0x6A00, s0  }
0xa: {  	s8 =	sadd.s32 $0x1A00, s0;
	s11 =	sadd.s32 $0x10A00, s0;
	s10 =	smul.u32 $0x154000, s3  }
0xb: {  	s30 =	sshll.u32 s13, $0x6;
	s28 =	ssub.s32 $0x2, s3;
	s3 =	smul.u32 $0x1388, s3  }
0xc: {  	_ =	strace $0x80000047;
	[dreg:$0x4] =	wrdreg s11;
	s11 =	smul.u32 $0x2800, s13  }
.Ltmp0:
0xd: {  	s12 =	sshrl.u32 s28, $0x1;
	s10 =	sadd.s32 s9, s10;
	(pc) =	sbr.rel .LBB2_1-.Ltmp0, $4  }
0xe: {  	s12 =	ssub.s32 s28, s12;
	s23 =	sadd.s32 $0x1388, s3;
	s10 =	sshrl.u32 s10, $0x3  }
0xf: {  	s9 =	sadd.s32 s9, s2;
	s31 =	smax.u32 s12, $0x1;
	s0 =	sadd.s32 s10, s0  }
0x10: {  	v2 =	vimm.s32 $0x1388;
	s14 =	sshrl.u32 s9, $0x3;
	[dreg:$0x6] =	wrdreg s31;
	s0 =	sadd.s32 $0x13600, s0  }
0x11: {  	v3 =	vimm.s32 $0x0;
	v0 =	vmov s3;
	v1 =	vmov s23;
	s23 =	simm.s32 $0x80;
	s10 =	sor.u32 $0x1C03, s30;
	[dreg:$0x5] =	wrdreg s0  }
.LBB2_11:
0x12: {  	[bflag:$0x0] =	sbarrier.arrive $0xFFFF  }
0x13: {  	s0 =	rddreg [dreg:$0x5]  }
0x14: {  	[hbm:s0], [sflag:s10] =	dma.local [spmem:s14], $0x2A80  }
0x15: {  	_ =	swait.ge [sflag:s15], $0x2A80  }
0x16: {  	s4 =	sadd.s32 $0x1, s4;
	s31 =	rddreg [dreg:$0x6]  }
0x17: {  	p0 =	sne.s32 s4, s31  }
.Ltmp1:
0x18: {  	_ = 	snop;
	(pc) =	sbr.rel @!p0 .LBB2_12-.Ltmp1, $3  }
0x19: {  	_ =	sdelay $0x1  }
0x1a: {  	[sflag:s15] =	ssyncset.done $0x0  }
0x1b: {  	[sflag:s15] =	ssyncadd.s32 $0xFFFFD580  }
.LBB2_1:
0x1c: {  	s0 =	rddreg [dreg:$0x4]  }
0x1d: {  	[spmem:s14], [sflag:s10] =	dma.local [hbm:s0], $0x2A80  }
.Ltmp2:
0x1e: {  	_ =	swait.ge [sflag:s15], $0x2A80;
	(pc) =	sbr.rel .LBB2_2-.Ltmp2, $4  }
0x1f: {  	[sflag:s15] =	ssyncset.done $0x0  }
0x20: {  	[sflag:s15] =	ssyncadd.s32 $0xFFFFD580  }
0x21: {  	[bflag:$0x0] =	sbarrier.arrive $0xFFFF  }
0x22: {  	s26 =	simm.s32 $0x0  }
.LBB2_10:
0x23: {  	s26 =	sadd.s32 $0x1, s26  }
0x24: {  	p0 =	sne.s32 s26, $0xA  }
.Ltmp3:
0x25: {  	_ = 	snop;
	(pc) =	sbr.rel @!p0 .LBB2_11-.Ltmp3, $1  }
0x26: {  	_ =	sdelay $0x3  }
.LBB2_2:
0x27: {  	s0 =	sshll.u32 s26, $0xA  }
0x28: {  	s0 =	sadd.s32 s11, s0  }
0x29: {  	s3 =	sshrl.u32 s0, $0x3  }
0x2a: {  	s0 =	simm.s32 $0x0;
	s9 =	sadd.s32 s6, s3  }
0x2b: {  	[tilespmem:s16], [sflag:$0x3] =	stream.linear.gather [hbm4b:s9+s0], $0x400, $0x38;
	[tilespmem:$0x1FC00] =	vst v63  }
0x2c: {  	_ =	swait.ge [sflag:s15], $0x400  }
0x2d: {  	[sflag:s15] =	ssyncset.done $0x0  }
0x2e: {  	s31 =	sadd.s32 s7, s3;
	[sflag:s15] =	ssyncadd.s32 $0xFFFFFC00  }
0x2f: {  	[tilespmem:s17], [sflag:$0x3] =	stream.linear.gather [hbm4b:s31+s0], $0x400, $0x38;
	[tilespmem:$0x1FC00] =	vst v63  }
0x30: {  	_ =	swait.ge [sflag:s15], $0x400  }
0x31: {  	[sflag:s15] =	ssyncset.done $0x0  }
0x32: {  	s3 =	sadd.s32 s8, s3;
	[sflag:s15] =	ssyncadd.s32 $0xFFFFFC00  }
0x33: {  	[tilespmem:s18], [sflag:$0x3] =	stream.linear.gather [hbm4b:s3+s0], $0x400, $0x38;
	[tilespmem:$0x1FC00] =	vst v63  }
0x34: {  	_ =	swait.ge [sflag:s15], $0x400  }
0x35: {  	[sflag:s15] =	ssyncset.done $0x0  }
0x36: {  	s9 =	sand.u32 $0x3F0, s0;
	s3 =	simm.s32 $0x10;
	[sflag:s15] =	ssyncadd.s32 $0xFFFFFC00  }
.LBB2_3:
0x37: {  	p0 =	sne.s32 s3, $0x3F0;
	[tilespmem:s9+$0x16400] =	vst v3;
	s12 =	smov.u32 s3;
	s3 =	sadd.s32 $0x10, s3  }
.Ltmp4:
0x38: {  	[tilespmem:s9+$0x16800] =	vst v2;
	(pc) =	sbr.rel @p0 .LBB2_3-.Ltmp4, $2  }
0x39: {  	[tilespmem:s9+$0x16000] =	vst v3;
	_ =	sdelay $0x2  }
0x3a: {  	s9 =	sand.u32 $0x3F0, s12  }
0x3b: {  	[tilespmem:s9+$0x16400] =	vst v3  }
0x3c: {  	[tilespmem:s9+$0x16800] =	vst v2  }
0x3d: {  	[tilespmem:s9+$0x16000] =	vst v3;
	s3 =	simm.s32 $0x0  }
0x3e: {  	v4 =	vld [tilespmem:s3+$0x15400];
	_ =	sdelay $0x4  }
0x3f: {  	vm0 =	vge.s32 v4, v0;
	vm1 =	vlt.s32 v4, v1  }
0x40: {  	vm0 =	vmand vm0, vm1  }
0x41: {  	v5 =	vsel vm0, $0x1, v3  }
0x42: {  	(xrf0) =	vadd.scan.msk.s32 $0xffff, v5;
	_ =	sdelay $0x2  }
0x43: {  	v5 =	vmov s0  }
0x44: {  	v5 =	vadd.s32 $0xFFFFFFFF, v5  }
0x45: {  	v5 =	vbroadcast v5, $0x0  }
0x46: {  	v6, _, _ =	vpop (xrf0)  }
0x47: {  	v7 =	vld [tilespmem:s3+$0x15800];
	v5 =	vadd.s32 v6, v5;
	(v2sf) =	vpush v6, $0xF;
	_ =	sdelay $0x4  }
0x48: {  	[tilespmem:v5+s19+$0x0] =	vst.idx.msk vm0, v7  }
0x49: {  	v7 =	vld [tilespmem:s3+$0x15C00];
	_ =	sdelay $0x4  }
0x4a: {  	v4 =	vsub.s32 v4, v0;
	[tilespmem:v5+s20+$0x0] =	vst.idx.msk vm0, v7  }
0x4b: {  	s9 =	simm.s32 $0x80;
	s3 =	simm.s32 $0x10;
	[tilespmem:v5+s21+$0x0] =	vst.idx.msk vm0, v4  }
.LBB2_5:
0x4c: {  	p0 =	sne.s32 s9, $0xFC0;
	v4 =	vld [tilespmem:s3+$0x15400]  }
0x4d: {  	v5 =	vld [tilespmem:s3+$0x15800]  }
0x4e: {  	s12 =	spop (v2sf)  }
0x4f: {  	s0 =	sadd.s32 s0, s12  }
0x50: {  	v6 =	vmov s0  }
0x51: {  	vm0 =	vge.s32 v4, v0;
	vm1 =	vlt.s32 v4, v1;
	v6 =	vadd.s32 $0xFFFFFFFF, v6  }
0x52: {  	v4 =	vsub.s32 v4, v0;
	vm0 =	vmand vm0, vm1;
	v6 =	vbroadcast v6, $0x0  }
0x53: {  	v7 =	vsel vm0, $0x1, v3  }
0x54: {  	(xrf0) =	vadd.scan.msk.s32 $0xffff, v7;
	_ =	sdelay $0x5  }
0x55: {  	v7, _, _ =	vpop (xrf0)  }
0x56: {  	v6 =	vadd.s32 v7, v6;
	(v2sf) =	vpush v7, $0xF;
	_ =	sdelay $0x4  }
0x57: {  	[tilespmem:v6+s19+$0x0] =	vst.idx.msk vm0, v5  }
0x58: {  	v5 =	vld [tilespmem:s3+$0x15C00];
	_ =	sdelay $0x1  }
.Ltmp5:
0x59: {  	(pc) =	sbr.rel @p0 .LBB2_5-.Ltmp5, $3  }
0x5a: {  	_ =	sdelay $0x1  }
0x5b: {  	[tilespmem:v6+s20+$0x0] =	vst.idx.msk vm0, v5  }
0x5c: {  	s3 =	sshra.s32 s9, $0x2;
	s9 =	sadd.s32 $0x40, s9;
	[tilespmem:v6+s21+$0x0] =	vst.idx.msk vm0, v4  }
0x5d: {  	v4 =	vld [tilespmem:s3+$0x15400];
	_ =	sdelay $0x4  }
0x5e: {  	vm0 =	vge.s32 v4, v0;
	vm1 =	vlt.s32 v4, v1  }
0x5f: {  	vm0 =	vmand vm0, vm1  }
0x60: {  	v5 =	vsel vm0, $0x1, v3  }
0x61: {  	(xrf0) =	vadd.scan.msk.s32 $0xffff, v5;
	_ =	sdelay $0x5  }
0x62: {  	v5, _, _ =	vpop (xrf0)  }
0x63: {  	(v2sf) =	vpush v5, $0xF;
	_ =	sdelay $0x7  }
0x64: {  	s9 =	spop (v2sf)  }
0x65: {  	s0 =	sadd.s32 s0, s9  }
0x66: {  	v6 =	vmov s0  }
0x67: {  	v6 =	vadd.s32 $0xFFFFFFFF, v6  }
0x68: {  	v6 =	vbroadcast v6, $0x0;
	_ =	sdelay $0x1  }
0x69: {  	v7 =	vld [tilespmem:s3+$0x15800];
	v5 =	vadd.s32 v5, v6  }
0x6a: {  	s12 =	spop (v2sf)  }
0x6b: {  	s0 =	sadd.s32 s0, s12  }
0x6c: {  	s0 =	sadd.s32 $0x7F, s0  }
0x6d: {  	s13 =	sand.u32 $0x7F, s0  }
0x6e: {  	[tilespmem:v5+s19+$0x0] =	vst.idx.msk vm0, v7;
	s31 =	sshra.s32 s0, $0x1F;
	p0 =	slt.s32 s0, $0x1;
	p1 =	sne.s32 s13, $0x0  }
0x6f: {  	v63 =	vld [tilespmem:s3+$0x15C00];
	s3 =	sshrl.u32 s31, $0x19;
	p0 =	por !p0, !p1  }
0x70: {  	s0 =	sadd.s32 s3, s0;
	s3 =	simm.s32 $0x1;
	p0 =	por !p0, !p0  }
0x71: {  	s0 =	sshra.s32 s0, $0x7;
	s3 =	simm.s32 @!p0 $0x0  }
0x72: {  	s28 =	ssub.s32 s0, s3  }
0x73: {  	p0 =	slt.s32 s28, $0x1  }
.Ltmp6:
0x74: {  	_ = 	snop;
	(pc) =	sbr.rel @p0 .LBB2_10-.Ltmp6, $3  }
0x75: {  	_ =	sdelay $0x1  }
0x76: {  	v4 =	vsub.s32 v4, v0;
	[tilespmem:v5+s20+$0x0] =	vst.idx.msk vm0, v63  }
0x77: {  	s30 =	simm.s32 $0x0;
	[tilespmem:v5+s21+$0x0] =	vst.idx.msk vm0, v4  }
.LBB2_7:
0x78: {  	s31 =	sshll.u32 s30, $0x7  }
0x79: {  	s0 =	sadd.s32 $0x16000, s31  }
0x7a: {  	[tilespmem:s24], [sflag:$0x1] =	stream.indirect.gather [hbm4b:s5+s23], $0x110, s0, s23, $0xb8;
	[tilespmem:$0x1FC00] =	vst v63  }
0x7b: {  	s3 =	sadd.s32 $0x16400, s31;
	s0 =	simm.s32 $0x1F400  }
0x7c: {  	[tilespmem:s0], [sflag:$0x2] =	stream.indirect.gather [hbm4b:s1+s23], $0x10, s3, s23, $0xb8;
	[tilespmem:$0x1FC00] =	vst v63  }
0x7d: {  	_ =	swait.ge [sflag:s22], $0x8800  }
0x7e: {  	[sflag:s22] =	ssyncset.done $0x0  }
0x7f: {  	[sflag:s22] =	ssyncadd.s32 $0xFFFF7800  }
0x80: {  	_ =	swait.ge [sflag:s25], $0x800  }
0x81: {  	[sflag:s25] =	ssyncset.done $0x0  }
0x82: {  	s3 =	simm.s32 $0x16C80;
	[sflag:s25] =	ssyncadd.s32 $0xFFFFF800  }
0x83: {  	v4 =	vld [tilespmem:s3+$0x80]  }
0x84: {  	v5 =	vld [tilespmem:s0+$0x0];
	_ =	sdelay $0x4  }
0x85: {  	v4 =	vadd.f32 v5, v4;
	_ =	sdelay $0x1  }
0x86: {  	v5 =	vmul.f32 $2.000000030e-01, v4  }
0x87: {  	vm0 =	vge.f32 v4, $0.0e+00  }
0x88: {  	v4 =	vsel vm0, v4, v5  }
0x89: {  	v4 =	vmul.f32 $1.442695020e+00, v4;
	_ =	sdelay $0x1  }
0x8a: {  	(erf) = vpow2.f32 v4  }
0x8b: {  	v4 =	vmov s29  }
0x8c: {  	v4 =	vmul.u32 $0x110, v4;
	_ =	sdelay $0x1  }
0x8d: {  	v4 =	vadd.s32 $0x100, v4  }
0x8e: {  	v6 =	vbroadcast v4, $0x0;
	_ =	sdelay $0x3  }
0x8f: {  	v7 =	vpop (erf)  }
0x90: {  	v8 =	vld [tilespmem:s3+$0xFFFFFF80];
	[tilespmem:s3+$0x80] =	vst v7  }
0x91: {  	v7 =	vld.idx.msk [tilespmem:v6+s24+$0x0], $0xffff  }
0x92: {  	v9 =	vld [tilespmem:s3+$0xFFFFFF90];
	_ =	sdelay $0x2  }
0x93: {  	v10 =	vor.u32 $0x1, v6  }
0x94: {  	v8 =	vmul.f32 v8, v7  }
0x95: {  	v7 =	vmul.f32 v9, v7  }
0x96: {  	[tilespmem:s3+$0xFFFFFF80] =	vst v8  }
0x97: {  	[tilespmem:s3+$0xFFFFFF90] =	vst v7;
	v8 =	vld [tilespmem:s3+$0xFFFFFFA0]  }
0x98: {  	v7 =	vld.idx.msk [tilespmem:v10+s24+$0x0], $0xffff  }
0x99: {  	v53 =	vld [tilespmem:s3+$0xFFFFFFB0];
	_ =	sdelay $0x2  }
0x9a: {  	v54 =	vor.u32 $0x2, v6  }
0x9b: {  	v8 =	vmul.f32 v8, v7  }
0x9c: {  	v7 =	vmul.f32 v53, v7  }
0x9d: {  	[tilespmem:s3+$0xFFFFFFA0] =	vst v8  }
0x9e: {  	[tilespmem:s3+$0xFFFFFFB0] =	vst v7;
	v8 =	vld [tilespmem:s3+$0xFFFFFFC0]  }
0x9f: {  	v7 =	vld.idx.msk [tilespmem:v54+s24+$0x0], $0xffff  }
0xa0: {  	v55 =	vld [tilespmem:s3+$0xFFFFFFD0];
	_ =	sdelay $0x2  }
0xa1: {  	v56 =	vor.u32 $0x3, v6  }
0xa2: {  	v8 =	vmul.f32 v8, v7  }
0xa3: {  	v7 =	vmul.f32 v55, v7  }
0xa4: {  	[tilespmem:s3+$0xFFFFFFC0] =	vst v8  }
0xa5: {  	v57 =	vld [tilespmem:s3+$0xFFFFFFE0];
	[tilespmem:s3+$0xFFFFFFD0] =	vst v7  }
0xa6: {  	v7 =	vld.idx.msk [tilespmem:v56+s24+$0x0], $0xffff  }
0xa7: {  	v8 =	vld [tilespmem:s3+$0xFFFFFFF0];
	_ =	sdelay $0x2  }
0xa8: {  	v58 =	vor.u32 $0x4, v6  }
0xa9: {  	v9 =	vmul.f32 v57, v7  }
0xaa: {  	v7 =	vmul.f32 v8, v7  }
0xab: {  	[tilespmem:s3+$0xFFFFFFE0] =	vst v9  }
0xac: {  	v8 =	vld [tilespmem:s3+$0x0];
	[tilespmem:s3+$0xFFFFFFF0] =	vst v7  }
0xad: {  	v7 =	vld.idx.msk [tilespmem:v58+s24+$0x0], $0xffff  }
0xae: {  	v59 =	vld [tilespmem:s3+$0x10];
	_ =	sdelay $0x2  }
0xaf: {  	v60 =	vor.u32 $0x5, v6  }
0xb0: {  	v8 =	vmul.f32 v8, v7  }
0xb1: {  	v7 =	vmul.f32 v59, v7  }
0xb2: {  	[tilespmem:s3+$0x0] =	vst v8  }
0xb3: {  	[tilespmem:s3+$0x10] =	vst v7;
	v8 =	vld [tilespmem:s3+$0x20]  }
0xb4: {  	v7 =	vld.idx.msk [tilespmem:v60+s24+$0x0], $0xffff  }
0xb5: {  	v61 =	vld [tilespmem:s3+$0x30];
	_ =	sdelay $0x2  }
0xb6: {  	v62 =	vor.u32 $0x6, v6  }
0xb7: {  	v8 =	vmul.f32 v8, v7  }
0xb8: {  	v7 =	vmul.f32 v61, v7  }
0xb9: {  	[tilespmem:s3+$0x20] =	vst v8  }
0xba: {  	[tilespmem:s3+$0x30] =	vst v7;
	v8 =	vld [tilespmem:s3+$0x40]  }
0xbb: {  	v7 =	vld.idx.msk [tilespmem:v62+s24+$0x0], $0xffff  }
0xbc: {  	v63 =	vld [tilespmem:s3+$0x50];
	_ =	sdelay $0x2  }
0xbd: {  	v6 =	vor.u32 $0x7, v6  }
0xbe: {  	v8 =	vmul.f32 v8, v7  }
0xbf: {  	v7 =	vmul.f32 v63, v7  }
0xc0: {  	v5 =	vld [tilespmem:s3+$0x60];
	[tilespmem:s3+$0x40] =	vst v8  }
0xc1: {  	v4 =	vld [tilespmem:s3+$0x70];
	[tilespmem:s3+$0x50] =	vst v7  }
0xc2: {  	s12 =	simm.s32 $0x1;
	s9 =	simm.s32 $0x16C80;
	v6 =	vld.idx.msk [tilespmem:v6+s24+$0x0], $0xffff  }
.LBB2_8:
0xc3: {  	p0 =	sne.s32 s12, $0x7F;
	s0 =	sadd.s32 $0x10, s0;
	s3 =	sadd.s32 $0x110, s3  }
0xc4: {  	s13 =	smov.u32 s12;
	s12 =	sadd.s32 $0x1, s12;
	_ =	sdelay $0x3  }
0xc5: {  	v5 =	vmul.f32 v5, v6;
	v4 =	vmul.f32 v4, v6;
	_ =	sdelay $0x1  }
0xc6: {  	[tilespmem:s9+$0x60] =	vst v5  }
0xc7: {  	v6 =	vld [tilespmem:s3+$0x80];
	[tilespmem:s9+$0x70] =	vst v4;
	s9 =	smov.u32 s3  }
0xc8: {  	v7 =	vld [tilespmem:s0+$0x0]  }
0xc9: {  	v4 =	vld [tilespmem:s3+$0x70]  }
0xca: {  	v5 =	vld [tilespmem:s3+$0x60];
	_ =	sdelay $0x2  }
0xcb: {  	v6 =	vadd.f32 v7, v6;
	_ =	sdelay $0x1  }
0xcc: {  	v7 =	vmul.f32 $2.000000030e-01, v6  }
0xcd: {  	vm0 =	vge.f32 v6, $0.0e+00  }
0xce: {  	v6 =	vsel vm0, v6, v7  }
0xcf: {  	v6 =	vmul.f32 $1.442695020e+00, v6;
	_ =	sdelay $0x1  }
0xd0: {  	(erf) = vpow2.f32 v6  }
0xd1: {  	v6 =	vmov s13  }
0xd2: {  	v6 =	vmul.u32 $0x110, v6;
	_ =	sdelay $0x1  }
0xd3: {  	v6 =	vadd.s32 $0x100, v6  }
0xd4: {  	v6 =	vbroadcast v6, $0x0;
	_ =	sdelay $0x3  }
0xd5: {  	v7 =	vpop (erf)  }
0xd6: {  	[tilespmem:s3+$0x80] =	vst v7;
	v7 =	vld [tilespmem:s3+$0xFFFFFF90]  }
0xd7: {  	v8 =	vld.idx.msk [tilespmem:v6+s24+$0x0], $0xffff  }
0xd8: {  	v9 =	vld [tilespmem:s3+$0xFFFFFF80];
	_ =	sdelay $0x2  }
0xd9: {  	v10 =	vor.u32 $0x1, v6;
	_ =	sdelay $0x1  }
0xda: {  	v7 =	vmul.f32 v7, v8;
	v9 =	vmul.f32 v9, v8;
	_ =	sdelay $0x1  }
0xdb: {  	[tilespmem:s3+$0xFFFFFF80] =	vst v9  }
0xdc: {  	[tilespmem:s3+$0xFFFFFF90] =	vst v7;
	v7 =	vld [tilespmem:s3+$0xFFFFFFB0]  }
0xdd: {  	v8 =	vld.idx.msk [tilespmem:v10+s24+$0x0], $0xffff  }
0xde: {  	v9 =	vld [tilespmem:s3+$0xFFFFFFA0];
	_ =	sdelay $0x1  }
0xdf: {  	v10 =	vor.u32 $0x2, v6;
	_ =	sdelay $0x2  }
0xe0: {  	v7 =	vmul.f32 v7, v8;
	v9 =	vmul.f32 v9, v8;
	_ =	sdelay $0x1  }
0xe1: {  	[tilespmem:s3+$0xFFFFFFA0] =	vst v9  }
0xe2: {  	[tilespmem:s3+$0xFFFFFFB0] =	vst v7;
	v7 =	vld [tilespmem:s3+$0xFFFFFFD0]  }
0xe3: {  	v8 =	vld.idx.msk [tilespmem:v10+s24+$0x0], $0xffff  }
0xe4: {  	v9 =	vld [tilespmem:s3+$0xFFFFFFC0]  }
0xe5: {  	v10 =	vor.u32 $0x3, v6;
	_ =	sdelay $0x3  }
0xe6: {  	v7 =	vmul.f32 v7, v8;
	v9 =	vmul.f32 v9, v8;
	_ =	sdelay $0x1  }
0xe7: {  	[tilespmem:s3+$0xFFFFFFC0] =	vst v9;
	v8 =	vld [tilespmem:s3+$0xFFFFFFF0]  }
0xe8: {  	[tilespmem:s3+$0xFFFFFFD0] =	vst v7  }
0xe9: {  	v7 =	vld.idx.msk [tilespmem:v10+s24+$0x0], $0xffff  }
0xea: {  	v10 =	vor.u32 $0x4, v6;
	v9 =	vld [tilespmem:s3+$0xFFFFFFE0];
	_ =	sdelay $0x4  }
0xeb: {  	v9 =	vmul.f32 v9, v7;
	v7 =	vmul.f32 v8, v7;
	_ =	sdelay $0x1  }
0xec: {  	[tilespmem:s3+$0xFFFFFFE0] =	vst v9  }
0xed: {  	[tilespmem:s3+$0xFFFFFFF0] =	vst v7;
	v7 =	vld [tilespmem:s3+$0x10]  }
0xee: {  	v9 =	vor.u32 $0x5, v6;
	v8 =	vld.idx.msk [tilespmem:v10+s24+$0x0], $0xffff  }
0xef: {  	v10 =	vld [tilespmem:s3+$0x0];
	_ =	sdelay $0x4  }
0xf0: {  	v7 =	vmul.f32 v7, v8;
	v10 =	vmul.f32 v10, v8;
	_ =	sdelay $0x1  }
0xf1: {  	[tilespmem:s3+$0x0] =	vst v10  }
0xf2: {  	v8 =	vor.u32 $0x6, v6;
	[tilespmem:s3+$0x10] =	vst v7;
	v7 =	vld [tilespmem:s3+$0x30]  }
0xf3: {  	v9 =	vld.idx.msk [tilespmem:v9+s24+$0x0], $0xffff  }
0xf4: {  	v10 =	vld [tilespmem:s3+$0x20];
	_ =	sdelay $0x4  }
0xf5: {  	v7 =	vmul.f32 v7, v9;
	v10 =	vmul.f32 v10, v9;
	_ =	sdelay $0x1  }
0xf6: {  	v6 =	vor.u32 $0x7, v6;
	[tilespmem:s3+$0x20] =	vst v10  }
0xf7: {  	[tilespmem:s3+$0x30] =	vst v7;
	v7 =	vld [tilespmem:s3+$0x50]  }
0xf8: {  	v8 =	vld.idx.msk [tilespmem:v8+s24+$0x0], $0xffff  }
0xf9: {  	v9 =	vld [tilespmem:s3+$0x40];
	_ =	sdelay $0x4  }
.Ltmp7:
0xfa: {  	v7 =	vmul.f32 v7, v8;
	v9 =	vmul.f32 v9, v8;
	(pc) =	sbr.rel @p0 .LBB2_8-.Ltmp7, $4  }
0xfb: {  	_ = 	snop  }
0xfc: {  	[tilespmem:s3+$0x40] =	vst v9  }
0xfd: {  	[tilespmem:s3+$0x50] =	vst v7  }
0xfe: {  	v6 =	vld.idx.msk [tilespmem:v6+s24+$0x0], $0xffff  }
0xff: {  	_ =	sdelay $0x3  }
0x100: {  	v5 =	vmul.f32 v5, v6  }
0x101: {  	v4 =	vmul.f32 v4, v6  }
0x102: {  	s30 =	sadd.s32 $0x1, s30;
	[tilespmem:s9+$0x60] =	vst v5  }
0x103: {  	s0 =	sadd.s32 $0x16800, s31;
	p0 =	sne.s32 s30, s28;
	[tilespmem:s9+$0x70] =	vst v4  }
0x104: {  	[spmem:s2] =	stream.indirect.scatter.add.f32 [tilespmem:s24], [sflag:$0x3], $0x110, s0, s23, $0xb8;
	[tilespmem:$0x1FC00] =	vst v63  }
.Ltmp8:
0x105: {  	_ = 	snop;
	(pc) =	sbr.rel @p0 .LBB2_7-.Ltmp8, $4  }
.Ltmp9:
0x106: {  	_ = 	snop;
	(pc) =	sbr.rel @!p0 .LBB2_10-.Ltmp9, $4  }
0x107: {  	_ =	swait.ge [sflag:s15], $0x8800  }
0x108: {  	[sflag:s15] =	ssyncset.done $0x0  }
0x109: {  	[sflag:s15] =	ssyncadd.s32 $0xFFFF7800  }
0x10a: {  	_ = 	snop  }
.LBB2_12:
0x10b: {  	_ =	sfence.sel $0x180000  }
0x10c: {  	[bflag:$0x0] =	sbarrier.arrive $0xFFFF  }
0x10d: {  	_ =	strace $0x90000047  }
0x10e: {  	s0 =	stileid.u32;
	[bflag:$0x2] =	sbarrier.arrive $0xFFFF  }
0x10f: {  	p0 =	sne.s32 s0, $0x0;
	s0 =	rddreg [dreg:$0x3]  }
0x110: {  	s0 =	sadd.s32 @!p0 $0x100000, s0  }
0x111: {  	[sflag:s0] =	ssyncadd.tile.s32 @!p0 $0x1;
	_ =	shalt  }
.Lfunc_end2:
_tile_overlayer_lowered:
.L_overlay_start_2:
0x112: {  	(tag) =	ssettag $0x2  }
0x113: {  	s0 =	rddreg [dreg:$0x0];
	s2 =	stileid.u32  }
0x114: {  	s1 =	rddreg [dreg:$0x1];
	p0 =	sne.s32 s2, $0x0  }
0x115: {  	s3 =	rddreg [dreg:$0x2];
	[bflag:$0x3] =	sbarrier.arrive $0xFFFF;
	s2 =	simm.s32 @!p0 $0x1C03  }
0x116: {  	[timem:s3], [sflag:s2] =	dma.local @!p0 [hbm:s0], s1  }
0x117: {  	s0 =	simm.s32 @!p0 $0x3  }
0x118: {  	_ =	swait.ge @!p0 [sflag:s0], s1  }
0x119: {  	s1 =	ssub.s32 @!p0 $0x0, s1;
	[sflag:s0] =	ssyncset.done @!p0 $0x0  }
0x11a: {  	[sflag:s0] =	ssyncadd.s32 @!p0 s1  }
0x11b: {  	[bflag:$0x3] =	sbarrier.arrive $0xFFFF  }
0x11c: {  	_ =	shalt  }

</sc_bundles>
